<compile_context>
chip_gen: v7x
topology: tpu7x:2x2x1
jax: 0.10.2.dev20260603
libtpu: 0.0.44.dev20260713+nightly
codegen_flags: <defaults>
</compile_context>

<pallas_src>
import functools

import jax
import jax.numpy as jnp
from jax import lax
from jax.experimental import pallas as pl
from jax.experimental.pallas import tpu as pltpu
from jax.experimental.pallas import tpu_sc as plsc

N = 100000
E = 1600000
G = 512
H = 32
F_IN = 14

NC = 2
NS = 16
LANES = 16

BLK = 1024
NB = 98
NA = NB * BLK
ROWS_PER_SUB = NA // NS

R = NA // 8
RB = 1792
NRB = R // RB

EROWS = 12544
EP = EROWS * 128
ROWS_PER_SUB_E = EROWS // NS
ROWS_PER_WORKER_E = EROWS // (NC * NS)
CHUNK_ROWS = 4
CHUNK_EDGES = CHUNK_ROWS * 128

@functools.cache
def _mesh():
    return plsc.VectorSubcoreMesh(core_axis_name="c", subcore_axis_name="s")


_SC_PARAMS = pltpu.CompilerParams(use_tc_tiling_on_sc=False)


def _sc_edge_body(table, src_hbm, dst_hbm, zeros_hbm, out_hbm,
                  srcv, dstv, rows, acc, isem, gsem, ssem, *, row0, nrows):
    s = lax.axis_index("s")
    pltpu.sync_copy(zeros_hbm, acc.at[pl.ds(s * ROWS_PER_SUB, ROWS_PER_SUB)])
    plsc.subcore_barrier()

    nchunks = nrows // CHUNK_ROWS
    pltpu.async_copy(src_hbm.at[pl.ds(row0, CHUNK_ROWS)], srcv.at[0], isem)
    pltpu.async_copy(dst_hbm.at[pl.ds(row0, CHUNK_ROWS)], dstv.at[0], isem)

    @pl.loop(0, nchunks)
    def _(k):
        bb = lax.rem(k, 2)

        @pl.when(k >= 2)
        def _():
            pltpu.make_async_copy(zeros_hbm.at[pl.ds(0, CHUNK_EDGES)],
                                  rows.at[bb], ssem).wait()

        pltpu.make_async_copy(src_hbm.at[pl.ds(0, CHUNK_ROWS)],
                              srcv.at[bb], isem).wait()
        pltpu.make_async_copy(dst_hbm.at[pl.ds(0, CHUNK_ROWS)],
                              dstv.at[bb], isem).wait()

        @pl.when(k + 1 < nchunks)
        def _():
            nb = 1 - bb
            base = row0 + (k + 1) * CHUNK_ROWS
            pltpu.async_copy(src_hbm.at[pl.ds(base, CHUNK_ROWS)],
                             srcv.at[nb], isem)
            pltpu.async_copy(dst_hbm.at[pl.ds(base, CHUNK_ROWS)],
                             dstv.at[nb], isem)

        gets = [pltpu.async_copy(table.at[srcv.at[bb].at[j]],
                                 rows.at[bb].at[pl.ds(j * 128, 128)], gsem)
                for j in range(CHUNK_ROWS)]
        for g_ in gets:
            g_.wait()
        for j in range(CHUNK_ROWS):
            pltpu.async_copy(rows.at[bb].at[pl.ds(j * 128, 128)],
                             acc.at[dstv.at[bb].at[j]], ssem, add=True)

    pltpu.make_async_copy(zeros_hbm.at[pl.ds(0, CHUNK_EDGES)],
                          rows.at[0], ssem).wait()
    if nrows // CHUNK_ROWS >= 2:
        pltpu.make_async_copy(zeros_hbm.at[pl.ds(0, CHUNK_EDGES)],
                              rows.at[1], ssem).wait()

    plsc.subcore_barrier()
    pltpu.sync_copy(acc.at[pl.ds(s * ROWS_PER_SUB, ROWS_PER_SUB)],
                    out_hbm.at[pl.ds(s * ROWS_PER_SUB, ROWS_PER_SUB)])


def _sc_scratch():
    return [
        pltpu.VMEM((2, CHUNK_ROWS, 128), jnp.int32),
        pltpu.VMEM((2, CHUNK_ROWS, 128), jnp.int32),
        pltpu.VMEM((2, CHUNK_EDGES, LANES), jnp.float32),
        pltpu.VMEM_SHARED((NA, LANES), jnp.float32),
        pltpu.SemaphoreType.DMA,
        pltpu.SemaphoreType.DMA,
        pltpu.SemaphoreType.DMA,
    ]


@jax.jit
def _sc_layer1(x_pad, src2d, dst2d, zeros):
    @functools.partial(
        pl.kernel,
        out_type=jax.ShapeDtypeStruct((NC, NA, LANES), jnp.float32),
        mesh=_mesh(), scratch_types=_sc_scratch(),
        compiler_params=_SC_PARAMS)
    def k(x_hbm, src_hbm, dst_hbm, z_hbm, out_hbm,
          srcv, dstv, rows, acc, isem, gsem, ssem):
        c = lax.axis_index("c")
        s = lax.axis_index("s")
        w = c * NS + s
        _sc_edge_body(x_hbm, src_hbm, dst_hbm, z_hbm, out_hbm.at[c],
                      srcv, dstv, rows, acc, isem, gsem, ssem,
                      row0=w * ROWS_PER_WORKER_E, nrows=ROWS_PER_WORKER_E)
    return k(x_pad, src2d, dst2d, zeros)


@jax.jit
def _sc_layer(h, src2d, dst2d, zeros):
    @functools.partial(
        pl.kernel,
        out_type=jax.ShapeDtypeStruct((NC, NA, LANES), jnp.float32),
        mesh=_mesh(), scratch_types=_sc_scratch(),
        compiler_params=_SC_PARAMS)
    def k(h_hbm, src_hbm, dst_hbm, z_hbm, out_hbm,
          srcv, dstv, rows, acc, isem, gsem, ssem):
        c = lax.axis_index("c")
        s = lax.axis_index("s")
        _sc_edge_body(h_hbm.at[c], src_hbm, dst_hbm, z_hbm, out_hbm.at[c],
                      srcv, dstv, rows, acc, isem, gsem, ssem,
                      row0=s * ROWS_PER_SUB_E, nrows=ROWS_PER_SUB_E)
    return k(h, src2d, dst2d, zeros)


_mxu = functools.partial(
    lax.dot_general, dimension_numbers=(((1,), (0,)), ((), ())),
    preferred_element_type=jnp.float32)


def _dotbf(a, b):
    return _mxu(a.astype(jnp.bfloat16), b.astype(jnp.bfloat16))


def _dot3(a, b):
    ah = a.astype(jnp.bfloat16)
    al = (a - ah.astype(jnp.float32)).astype(jnp.bfloat16)
    bh = b.astype(jnp.bfloat16)
    bl = (b - bh.astype(jnp.float32)).astype(jnp.bfloat16)
    return _mxu(ah, bh) + (_mxu(ah, bl) + (_mxu(al, bh) + _mxu(al, bl)))


def _tc_layer1_body(p_ref, x_ref, br_r, bb_r, bo_r, o_ref):
    a = p_ref[0] + p_ref[1]
    xx = x_ref[...]
    for d in range(2):
        od = (_dotbf(a, br_r[d]) + bb_r[d]) + _dotbf(xx, bo_r[d])
        o_ref[d] = jnp.maximum(od, 0.0)


def _tc_layer1(part_p, x_p, br, bb, bo):
    return pl.pallas_call(
        _tc_layer1_body,
        grid=(NRB,),
        in_specs=[
            pl.BlockSpec((NC, RB, 128), lambda i: (0, i, 0)),
            pl.BlockSpec((RB, 128), lambda i: (i, 0)),
            pl.BlockSpec((2, 128, 128), lambda i: (0, 0, 0)),
            pl.BlockSpec((2, 128), lambda i: (0, 0)),
            pl.BlockSpec((2, 128, 128), lambda i: (0, 0, 0)),
        ],
        out_specs=pl.BlockSpec((NC, RB, 128), lambda i: (0, i, 0)),
        out_shape=jax.ShapeDtypeStruct((NC, R, 128), jnp.float32),
    )(part_p, x_p, br, bb, bo)


def _packed_dense(a_ref, h_ref, br_r, bb_r, bo_r):
    out = []
    for d in range(2):
        ma = _dotbf(a_ref[0], br_r[0, d]) + _dotbf(a_ref[1], br_r[1, d])
        mh = _dotbf(h_ref[0], bo_r[0, d]) + _dotbf(h_ref[1], bo_r[1, d])
        out.append(jnp.maximum((ma + bb_r[d]) + mh, 0.0))
    return out


def _tc_layer_body(a_ref, h_ref, br_r, bb_r, bo_r, o_ref):
    o = _packed_dense(a_ref, h_ref, br_r, bb_r, bo_r)
    o_ref[0] = o[0]
    o_ref[1] = o[1]


def _tc_layer(agg_p, h_p, br, bb, bo):
    return pl.pallas_call(
        _tc_layer_body,
        grid=(NRB,),
        in_specs=[
            pl.BlockSpec((NC, RB, 128), lambda i: (0, i, 0)),
            pl.BlockSpec((NC, RB, 128), lambda i: (0, i, 0)),
            pl.BlockSpec((2, 2, 128, 128), lambda i: (0, 0, 0, 0)),
            pl.BlockSpec((2, 128), lambda i: (0, 0)),
            pl.BlockSpec((2, 2, 128, 128), lambda i: (0, 0, 0, 0)),
        ],
        out_specs=pl.BlockSpec((NC, RB, 128), lambda i: (0, i, 0)),
        out_shape=jax.ShapeDtypeStruct((NC, R, 128), jnp.float32),
    )(agg_p, h_p, br, bb, bo)


def _tc_tail_body(a_ref, h_ref, br_r, bb_r, bo_r, b8_ref,
                  w1_ref, b1_ref, w2_ref, b2_ref, o_ref, acc):
    i = pl.program_id(0)

    @pl.when(i == 0)
    def _():
        acc[...] = jnp.zeros_like(acc)

    o = _packed_dense(a_ref, h_ref, br_r, bb_r, bo_r)

    for j in range(8):
        bat = b8_ref[j]
        oh = (lax.broadcasted_iota(jnp.int32, (G, RB), 0)
              == bat[None, :]).astype(jnp.bfloat16)
        cols = []
        for c in range(2):
            s = o[c][:, 16 * j:16 * (j + 1)]
            hi = s.astype(jnp.bfloat16)
            r1 = s - hi.astype(jnp.float32)
            lo = r1.astype(jnp.bfloat16)
            lo2 = (r1 - lo.astype(jnp.float32)).astype(jnp.bfloat16)
            cols += [hi, lo, lo2]
        res = _mxu(oh, jnp.concatenate(cols, axis=1))
        acc[...] += jnp.concatenate(
            [(res[:, 0:16] + res[:, 16:32]) + res[:, 32:48],
             (res[:, 48:64] + res[:, 64:80]) + res[:, 80:96]],
            axis=1)

    @pl.when(i == NRB - 1)
    def _():
        h1 = jnp.maximum(_dotbf(acc[...], w1_ref[...].T) + b1_ref[...], 0.0)
        logits = _dotbf(h1, w2_ref[...].T) + b2_ref[...]
        m = jnp.max(logits, axis=1, keepdims=True)
        lse = m + jnp.log(jnp.sum(jnp.exp(logits - m), axis=1, keepdims=True))
        o_ref[...] = logits - lse


def _tc_tail(agg_p, h_p, br, bb, bo, batch8, w1, b1, w2, b2):
    return pl.pallas_call(
        _tc_tail_body,
        grid=(NRB,),
        in_specs=[
            pl.BlockSpec((NC, RB, 128), lambda i: (0, i, 0)),
            pl.BlockSpec((NC, RB, 128), lambda i: (0, i, 0)),
            pl.BlockSpec((2, 2, 128, 128), lambda i: (0, 0, 0, 0)),
            pl.BlockSpec((2, 128), lambda i: (0, 0)),
            pl.BlockSpec((2, 2, 128, 128), lambda i: (0, 0, 0, 0)),
            pl.BlockSpec((8, RB), lambda i: (0, i)),
            pl.BlockSpec((H, H), lambda i: (0, 0)),
            pl.BlockSpec((1, H), lambda i: (0, 0)),
            pl.BlockSpec((2, H), lambda i: (0, 0)),
            pl.BlockSpec((1, 2), lambda i: (0, 0)),
        ],
        out_specs=pl.BlockSpec((G, 2), lambda i: (0, 0)),
        out_shape=jax.ShapeDtypeStruct((G, 2), jnp.float32),
        scratch_shapes=[pltpu.VMEM((G, H), jnp.float32)],
    )(agg_p, h_p, br, bb, bo, batch8, w1, b1, w2, b2)


def _blockdiag(W, cin):
    eye8 = jnp.eye(8, dtype=W.dtype)
    return jnp.stack([
        jnp.stack([
            jnp.kron(eye8, W[16 * d:16 * (d + 1), 16 * c:16 * (c + 1)].T)
            for d in range(2)])
        for c in range(cin)])


def _packbias(b):
    return jnp.tile(b.reshape(2, 1, LANES), (1, 8, 1)).reshape(2, 128)


def kernel(x, edge_index, batch, W_rel1, b_rel1, W_root1, W_rels, b_rels,
           W_roots, W_lin1, b_lin1, W_lin2, b_lin2):
    src2d = jnp.reshape(
        jnp.pad(edge_index[0], (0, EP - E)), (EROWS, 128))
    dst2d = jnp.reshape(
        jnp.pad(edge_index[1], (0, EP - E), constant_values=N), (EROWS, 128))
    x_pad = jnp.pad(x, ((0, NA - N), (0, LANES - F_IN)))
    x_p = jnp.reshape(x_pad, (R, 128))
    zeros = jnp.zeros((ROWS_PER_SUB, LANES), jnp.float32)
    batch8 = jnp.reshape(
        jnp.pad(batch, (0, NA - N), constant_values=G), (R, 8)).T
    wr1 = jnp.pad(W_rel1, ((0, 0), (0, LANES - F_IN)))
    wo1 = jnp.pad(W_root1, ((0, 0), (0, LANES - F_IN)))

    part = _sc_layer1(x_pad, src2d, dst2d, zeros)
    h = _tc_layer1(jnp.reshape(part, (NC, R, 128)), x_p,
                   _blockdiag(wr1, 1)[0], _packbias(b_rel1),
                   _blockdiag(wo1, 1)[0])

    for i in range(3):
        agg = _sc_layer(jnp.reshape(h, (NC, NA, LANES)), src2d, dst2d, zeros)
        h = _tc_layer(jnp.reshape(agg, (NC, R, 128)), h,
                      _blockdiag(W_rels[i], 2), _packbias(b_rels[i]),
                      _blockdiag(W_roots[i], 2))

    agg = _sc_layer(jnp.reshape(h, (NC, NA, LANES)), src2d, dst2d, zeros)
    return _tc_tail(jnp.reshape(agg, (NC, R, 128)), h,
                    _blockdiag(W_rels[3], 2), _packbias(b_rels[3]),
                    _blockdiag(W_roots[3], 2), batch8,
                    W_lin1, b_lin1.reshape(1, H),
                    W_lin2, b_lin2.reshape(1, 2))

# --- scband reference (transcript-rebuilt; emitter-appended) ---
"""Pipeline reference for scband-mutag-gnn-5540507812347 (READ-ONLY COPY).

The authoritative reference and input builder live on the scoring server;
editing this copy changes nothing except your own understanding.
"""

import jax, jax.numpy as jnp
import numpy as np

N = 100000
E = 1600000
G = 512
H = 32
F_IN = 14


def setup_inputs(seed: int = 0) -> dict:
    key = jax.random.key(seed)
    ks = jax.random.split(key, 16)
    x = jax.random.normal(ks[0], (N, F_IN), dtype=jnp.float32)
    edge_index = jax.random.randint(ks[1], (2, E), 0, N, dtype=jnp.int32)
    batch = jnp.sort(jax.random.randint(ks[2], (N,), 0, G, dtype=jnp.int32))
    s_in = 1.0 / np.sqrt(F_IN)
    s_h = 1.0 / np.sqrt(H)
    W_rel1 = jax.random.uniform(ks[3], (H, F_IN), dtype=jnp.float32, minval=-s_in, maxval=s_in)
    b_rel1 = jax.random.uniform(ks[4], (H,), dtype=jnp.float32, minval=-s_in, maxval=s_in)
    W_root1 = jax.random.uniform(ks[5], (H, F_IN), dtype=jnp.float32, minval=-s_in, maxval=s_in)
    W_rels = jax.random.uniform(ks[6], (4, H, H), dtype=jnp.float32, minval=-s_h, maxval=s_h)
    b_rels = jax.random.uniform(ks[7], (4, H), dtype=jnp.float32, minval=-s_h, maxval=s_h)
    W_roots = jax.random.uniform(ks[8], (4, H, H), dtype=jnp.float32, minval=-s_h, maxval=s_h)
    W_lin1 = jax.random.uniform(ks[9], (H, H), dtype=jnp.float32, minval=-s_h, maxval=s_h)
    b_lin1 = jax.random.uniform(ks[10], (H,), dtype=jnp.float32, minval=-s_h, maxval=s_h)
    W_lin2 = jax.random.uniform(ks[11], (2, H), dtype=jnp.float32, minval=-s_h, maxval=s_h)
    b_lin2 = jax.random.uniform(ks[12], (2,), dtype=jnp.float32, minval=-s_h, maxval=s_h)
    return {"x": x, "edge_index": edge_index, "batch": batch,
            "W_rel1": W_rel1, "b_rel1": b_rel1, "W_root1": W_root1,
            "W_rels": W_rels, "b_rels": b_rels, "W_roots": W_roots,
            "W_lin1": W_lin1, "b_lin1": b_lin1, "W_lin2": W_lin2, "b_lin2": b_lin2}


def reference(x, edge_index, batch, W_rel1, b_rel1, W_root1, W_rels, b_rels, W_roots, W_lin1, b_lin1, W_lin2, b_lin2):
    src = edge_index[0]
    dst = edge_index[1]

    def graph_conv(h, Wr, br, Wo):
        # PyG GraphConv: W_root @ x_i + W_rel @ sum_{j in N(i)} x_j + b
        agg = jax.ops.segment_sum(h[src], dst, num_segments=N)
        return agg @ Wr.T + br + h @ Wo.T

    h = jax.nn.relu(graph_conv(x, W_rel1, b_rel1, W_root1))
    for i in range(4):
        h = jax.nn.relu(graph_conv(h, W_rels[i], b_rels[i], W_roots[i]))
    pooled = jax.ops.segment_sum(h, batch, num_segments=G)
    h1 = jax.nn.relu(pooled @ W_lin1.T + b_lin1)
    # dropout is identity in eval mode
    logits = h1 @ W_lin2.T + b_lin2
    return jax.nn.log_softmax(logits, axis=1)

if __name__ == "__main__":
    import jax
    _d = setup_inputs()
    print(jax.jit(kernel)(*tuple(_d.values())))

</pallas_src>

<mosaic_0001>
#map = affine_map<(d0, d1) -> (0, 0)>
#map1 = affine_map<(d0, d1) -> (0, 0, 0)>
module attributes {stable_mosaic.version = 14 : i64} {
  func.func @k(%arg0: i32, %arg1: i32, %arg2: memref<100352x16xf32, #tpu.memory_space<hbm>>, %arg3: memref<12544x128xi32, #tpu.memory_space<hbm>>, %arg4: memref<12544x128xi32, #tpu.memory_space<hbm>>, %arg5: memref<6272x16xf32, #tpu.memory_space<hbm>>, %arg6: memref<2x100352x16xf32, #tpu.memory_space<hbm>>, %arg7: memref<2x4x128xi32, #tpu.memory_space<vmem>>, %arg8: memref<2x4x128xi32, #tpu.memory_space<vmem>>, %arg9: memref<2x512x16xf32, #tpu.memory_space<vmem>>, %arg10: memref<100352x16xf32, #tpu.memory_space<vmem_shared>>, %arg11: memref<!tpu.dma_semaphore, #tpu.memory_space<semaphore_mem>>, %arg12: memref<!tpu.dma_semaphore, #tpu.memory_space<semaphore_mem>>, %arg13: memref<!tpu.dma_semaphore, #tpu.memory_space<semaphore_mem>>) attributes {dimension_semantics = [#tpu.dimension_semantics<core_parallel>, #tpu.dimension_semantics<subcore_parallel>], iteration_bounds = array<i64: 2, 16>, scalar_prefetch = 0 : i64, scratch_operands = 7 : i64, tpu.core_type = #tpu.core_type<sc_vector_subcore>, window_params = [{transform_indices = #map}, {transform_indices = #map}, {transform_indices = #map}, {transform_indices = #map}, {transform_indices = #map1}]} {
    %mul3A = arith.constant 16 : i32
    %mul3A_0 = arith.muli %arg0, %mul3A : i32
    %add3A = arith.addi %mul3A_0, %arg1 : i32
    %mul3A_1 = arith.constant 392 : i32
    %mul3A_2 = arith.muli %add3A, %mul3A_1 : i32
    %mul3A_3 = arith.constant 6272 : i32
    %mul3A_4 = arith.muli %arg1, %mul3A_3 : i32
    "tpu.region"() ({
      %run_scoped3A = tpu.sem_alloc : memref<!tpu.dma_semaphore, #tpu.memory_space<semaphore_mem>>
      %dma_start3A_68 = arith.constant 0 : i32
      %dma_start3A_69 = tpu.memref_slice %arg10[%mul3A_4, %dma_start3A_68] : memref<100352x16xf32, #tpu.memory_space<vmem_shared>> -> memref<6272x16xf32, #tpu.memory_space<vmem_shared>>
      tpu.enqueue_dma source(%arg5 : memref<6272x16xf32, #tpu.memory_space<hbm>>) target(%dma_start3A_69 : memref<6272x16xf32, #tpu.memory_space<vmem_shared>>) target_semaphore(%run_scoped3A : memref<!tpu.dma_semaphore, #tpu.memory_space<semaphore_mem>>)
      %dma_wait3A_70 = arith.constant 0 : i32
      %dma_wait3A_71 = tpu.memref_slice %arg10[%mul3A_4, %dma_wait3A_70] : memref<100352x16xf32, #tpu.memory_space<vmem_shared>> -> memref<6272x16xf32, #tpu.memory_space<vmem_shared>>
      tpu.wait_dma2 semaphore(%run_scoped3A : memref<!tpu.dma_semaphore, #tpu.memory_space<semaphore_mem>>) src(%arg5 : memref<6272x16xf32, #tpu.memory_space<hbm>>) dst(%dma_wait3A_71 : memref<6272x16xf32, #tpu.memory_space<vmem_shared>>)
      tpu.yield
    }) : () -> ()
    %barrier3A = arith.constant 0 : index
    tpu.barrier barrier_id(%barrier3A)
    %dma_start3A = arith.constant 0 : i32
    %dma_start3A_5 = arith.constant 0 : i32
    %dma_start3A_6 = arith.constant 0 : i32
    %dma_start3A_7 = tpu.memref_slice %arg7[%dma_start3A, %dma_start3A_5, %dma_start3A_6] : memref<2x4x128xi32, #tpu.memory_space<vmem>> -> memref<1x4x128xi32, #tpu.memory_space<vmem>>
    %dma_start3A_8 = tpu.memref_squeeze %dma_start3A_7 : memref<1x4x128xi32, #tpu.memory_space<vmem>> -> memref<4x128xi32, #tpu.memory_space<vmem>>
    %dma_start3A_9 = arith.constant 0 : i32
    %dma_start3A_10 = tpu.memref_slice %arg3[%mul3A_2, %dma_start3A_9] : memref<12544x128xi32, #tpu.memory_space<hbm>> -> memref<4x128xi32, #tpu.memory_space<hbm>>
    %dma_start3A_11 = arith.constant 0 : i32
    %dma_start3A_12 = arith.constant 0 : i32
    %dma_start3A_13 = tpu.memref_slice %arg7[%dma_start3A, %dma_start3A_11, %dma_start3A_12] : memref<2x4x128xi32, #tpu.memory_space<vmem>> -> memref<1x4x128xi32, #tpu.memory_space<vmem>>
    %dma_start3A_14 = tpu.memref_squeeze %dma_start3A_13 : memref<1x4x128xi32, #tpu.memory_space<vmem>> -> memref<4x128xi32, #tpu.memory_space<vmem>>
    %dma_start3A_15 = arith.constant 0 : i32
    %dma_start3A_16 = tpu.memref_slice %arg3[%mul3A_2, %dma_start3A_15] : memref<12544x128xi32, #tpu.memory_space<hbm>> -> memref<4x128xi32, #tpu.memory_space<hbm>>
    tpu.enqueue_dma source(%dma_start3A_16 : memref<4x128xi32, #tpu.memory_space<hbm>>) target(%dma_start3A_14 : memref<4x128xi32, #tpu.memory_space<vmem>>) target_semaphore(%arg11 : memref<!tpu.dma_semaphore, #tpu.memory_space<semaphore_mem>>)
    %dma_start3A_17 = arith.constant 0 : i32
    %dma_start3A_18 = arith.constant 0 : i32
    %dma_start3A_19 = arith.constant 0 : i32
    %dma_start3A_20 = tpu.memref_slice %arg8[%dma_start3A_17, %dma_start3A_18, %dma_start3A_19] : memref<2x4x128xi32, #tpu.memory_space<vmem>> -> memref<1x4x128xi32, #tpu.memory_space<vmem>>
    %dma_start3A_21 = tpu.memref_squeeze %dma_start3A_20 : memref<1x4x128xi32, #tpu.memory_space<vmem>> -> memref<4x128xi32, #tpu.memory_space<vmem>>
    %dma_start3A_22 = arith.constant 0 : i32
    %dma_start3A_23 = tpu.memref_slice %arg4[%mul3A_2, %dma_start3A_22] : memref<12544x128xi32, #tpu.memory_space<hbm>> -> memref<4x128xi32, #tpu.memory_space<hbm>>
    %dma_start3A_24 = arith.constant 0 : i32
    %dma_start3A_25 = arith.constant 0 : i32
    %dma_start3A_26 = tpu.memref_slice %arg8[%dma_start3A_17, %dma_start3A_24, %dma_start3A_25] : memref<2x4x128xi32, #tpu.memory_space<vmem>> -> memref<1x4x128xi32, #tpu.memory_space<vmem>>
    %dma_start3A_27 = tpu.memref_squeeze %dma_start3A_26 : memref<1x4x128xi32, #tpu.memory_space<vmem>> -> memref<4x128xi32, #tpu.memory_space<vmem>>
    %dma_start3A_28 = arith.constant 0 : i32
    %dma_start3A_29 = tpu.memref_slice %arg4[%mul3A_2, %dma_start3A_28] : memref<12544x128xi32, #tpu.memory_space<hbm>> -> memref<4x128xi32, #tpu.memory_space<hbm>>
    tpu.enqueue_dma source(%dma_start3A_29 : memref<4x128xi32, #tpu.memory_space<hbm>>) target(%dma_start3A_27 : memref<4x128xi32, #tpu.memory_space<vmem>>) target_semaphore(%arg11 : memref<!tpu.dma_semaphore, #tpu.memory_space<semaphore_mem>>)
    %scan3A = arith.constant 0 : i32
    %scan3A_30 = arith.constant 98 : i32
    %scan3A_31 = arith.addi %scan3A, %scan3A_30 : i32
    %scan3A_32 = arith.constant 1 : i32
    scf.for %scan3A_68 = %scan3A to %scan3A_31 step %scan3A_32  : i32 {
      %mul3A_69 = arith.constant 1 : i32
      %mul3A_70 = arith.muli %scan3A_68, %mul3A_69 : i32
      %add3A_71 = arith.constant 0 : i32
      %add3A_72 = arith.addi %add3A_71, %mul3A_70 : i32
      %rem3A = arith.constant 2 : i32
      %rem3A_73 = arith.remsi %add3A_72, %rem3A : i32
      %ge3A = arith.constant 2 : i32
      %ge3A_74 = arith.cmpi sge, %add3A_72, %ge3A : i32
      %convert_element_type3A = arith.extui %ge3A_74 : i1 to i32
      %cond3A = arith.constant 0 : i32
      %cond3A_75 = arith.cmpi ne, %convert_element_type3A, %cond3A : i32
      scf.if %cond3A_75 {
        %dma_wait3A_326 = arith.constant 0 : i32
        %dma_wait3A_327 = arith.constant 0 : i32
        %dma_wait3A_328 = tpu.memref_slice %arg9[%rem3A_73, %dma_wait3A_326, %dma_wait3A_327] : memref<2x512x16xf32, #tpu.memory_space<vmem>> -> memref<1x512x16xf32, #tpu.memory_space<vmem>>
        %dma_wait3A_329 = tpu.memref_squeeze %dma_wait3A_328 : memref<1x512x16xf32, #tpu.memory_space<vmem>> -> memref<512x16xf32, #tpu.memory_space<vmem>>
        %dma_wait3A_330 = arith.constant 0 : i32
        %dma_wait3A_331 = arith.constant 0 : i32
        %dma_wait3A_332 = tpu.memref_slice %arg5[%dma_wait3A_330, %dma_wait3A_331] : memref<6272x16xf32, #tpu.memory_space<hbm>> -> memref<512x16xf32, #tpu.memory_space<hbm>>
        %dma_wait3A_333 = arith.constant 0 : i32
        %dma_wait3A_334 = arith.constant 0 : i32
        %dma_wait3A_335 = tpu.memref_slice %arg9[%rem3A_73, %dma_wait3A_333, %dma_wait3A_334] : memref<2x512x16xf32, #tpu.memory_space<vmem>> -> memref<1x512x16xf32, #tpu.memory_space<vmem>>
        %dma_wait3A_336 = tpu.memref_squeeze %dma_wait3A_335 : memref<1x512x16xf32, #tpu.memory_space<vmem>> -> memref<512x16xf32, #tpu.memory_space<vmem>>
        %dma_wait3A_337 = arith.constant 0 : i32
        %dma_wait3A_338 = arith.constant 0 : i32
        %dma_wait3A_339 = tpu.memref_slice %arg5[%dma_wait3A_337, %dma_wait3A_338] : memref<6272x16xf32, #tpu.memory_space<hbm>> -> memref<512x16xf32, #tpu.memory_space<hbm>>
        tpu.wait_dma2 semaphore(%arg13 : memref<!tpu.dma_semaphore, #tpu.memory_space<semaphore_mem>>) src(%dma_wait3A_339 : memref<512x16xf32, #tpu.memory_space<hbm>>) dst(%dma_wait3A_336 : memref<512x16xf32, #tpu.memory_space<vmem>>)
      } else {
      }
      %dma_wait3A_76 = arith.constant 0 : i32
      %dma_wait3A_77 = arith.constant 0 : i32
      %dma_wait3A_78 = tpu.memref_slice %arg7[%rem3A_73, %dma_wait3A_76, %dma_wait3A_77] : memref<2x4x128xi32, #tpu.memory_space<vmem>> -> memref<1x4x128xi32, #tpu.memory_space<vmem>>
      %dma_wait3A_79 = tpu.memref_squeeze %dma_wait3A_78 : memref<1x4x128xi32, #tpu.memory_space<vmem>> -> memref<4x128xi32, #tpu.memory_space<vmem>>
      %dma_wait3A_80 = arith.constant 0 : i32
      %dma_wait3A_81 = arith.constant 0 : i32
      %dma_wait3A_82 = tpu.memref_slice %arg3[%dma_wait3A_80, %dma_wait3A_81] : memref<12544x128xi32, #tpu.memory_space<hbm>> -> memref<4x128xi32, #tpu.memory_space<hbm>>
      %dma_wait3A_83 = arith.constant 0 : i32
      %dma_wait3A_84 = arith.constant 0 : i32
      %dma_wait3A_85 = tpu.memref_slice %arg7[%rem3A_73, %dma_wait3A_83, %dma_wait3A_84] : memref<2x4x128xi32, #tpu.memory_space<vmem>> -> memref<1x4x128xi32, #tpu.memory_space<vmem>>
      %dma_wait3A_86 = tpu.memref_squeeze %dma_wait3A_85 : memref<1x4x128xi32, #tpu.memory_space<vmem>> -> memref<4x128xi32, #tpu.memory_space<vmem>>
      %dma_wait3A_87 = arith.constant 0 : i32
      %dma_wait3A_88 = arith.constant 0 : i32
      %dma_wait3A_89 = tpu.memref_slice %arg3[%dma_wait3A_87, %dma_wait3A_88] : memref<12544x128xi32, #tpu.memory_space<hbm>> -> memref<4x128xi32, #tpu.memory_space<hbm>>
      tpu.wait_dma2 semaphore(%arg11 : memref<!tpu.dma_semaphore, #tpu.memory_space<semaphore_mem>>) src(%dma_wait3A_89 : memref<4x128xi32, #tpu.memory_space<hbm>>) dst(%dma_wait3A_86 : memref<4x128xi32, #tpu.memory_space<vmem>>)
      %dma_wait3A_90 = arith.constant 0 : i32
      %dma_wait3A_91 = arith.constant 0 : i32
      %dma_wait3A_92 = tpu.memref_slice %arg8[%rem3A_73, %dma_wait3A_90, %dma_wait3A_91] : memref<2x4x128xi32, #tpu.memory_space<vmem>> -> memref<1x4x128xi32, #tpu.memory_space<vmem>>
      %dma_wait3A_93 = tpu.memref_squeeze %dma_wait3A_92 : memref<1x4x128xi32, #tpu.memory_space<vmem>> -> memref<4x128xi32, #tpu.memory_space<vmem>>
      %dma_wait3A_94 = arith.constant 0 : i32
      %dma_wait3A_95 = arith.constant 0 : i32
      %dma_wait3A_96 = tpu.memref_slice %arg4[%dma_wait3A_94, %dma_wait3A_95] : memref<12544x128xi32, #tpu.memory_space<hbm>> -> memref<4x128xi32, #tpu.memory_space<hbm>>
      %dma_wait3A_97 = arith.constant 0 : i32
      %dma_wait3A_98 = arith.constant 0 : i32
      %dma_wait3A_99 = tpu.memref_slice %arg8[%rem3A_73, %dma_wait3A_97, %dma_wait3A_98] : memref<2x4x128xi32, #tpu.memory_space<vmem>> -> memref<1x4x128xi32, #tpu.memory_space<vmem>>
      %dma_wait3A_100 = tpu.memref_squeeze %dma_wait3A_99 : memref<1x4x128xi32, #tpu.memory_space<vmem>> -> memref<4x128xi32, #tpu.memory_space<vmem>>
      %dma_wait3A_101 = arith.constant 0 : i32
      %dma_wait3A_102 = arith.constant 0 : i32
      %dma_wait3A_103 = tpu.memref_slice %arg4[%dma_wait3A_101, %dma_wait3A_102] : memref<12544x128xi32, #tpu.memory_space<hbm>> -> memref<4x128xi32, #tpu.memory_space<hbm>>
      tpu.wait_dma2 semaphore(%arg11 : memref<!tpu.dma_semaphore, #tpu.memory_space<semaphore_mem>>) src(%dma_wait3A_103 : memref<4x128xi32, #tpu.memory_space<hbm>>) dst(%dma_wait3A_100 : memref<4x128xi32, #tpu.memory_space<vmem>>)
      %add3A_104 = arith.constant 1 : i32
      %add3A_105 = arith.addi %add3A_72, %add3A_104 : i32
      %lt3A = arith.constant 98 : i32
      %lt3A_106 = arith.cmpi slt, %add3A_105, %lt3A : i32
      %convert_element_type3A_107 = arith.extui %lt3A_106 : i1 to i32
      %cond3A_108 = arith.constant 0 : i32
      %cond3A_109 = arith.cmpi ne, %convert_element_type3A_107, %cond3A_108 : i32
      scf.if %cond3A_109 {
        %sub3A = arith.constant 1 : i32
        %sub3A_326 = arith.subi %sub3A, %rem3A_73 : i32
        %add3A_327 = arith.constant 1 : i32
        %add3A_328 = arith.addi %add3A_72, %add3A_327 : i32
        %mul3A_329 = arith.constant 4 : i32
        %mul3A_330 = arith.muli %add3A_328, %mul3A_329 : i32
        %add3A_331 = arith.addi %mul3A_2, %mul3A_330 : i32
        %dma_start3A_332 = arith.constant 0 : i32
        %dma_start3A_333 = arith.constant 0 : i32
        %dma_start3A_334 = tpu.memref_slice %arg7[%sub3A_326, %dma_start3A_332, %dma_start3A_333] : memref<2x4x128xi32, #tpu.memory_space<vmem>> -> memref<1x4x128xi32, #tpu.memory_space<vmem>>
        %dma_start3A_335 = tpu.memref_squeeze %dma_start3A_334 : memref<1x4x128xi32, #tpu.memory_space<vmem>> -> memref<4x128xi32, #tpu.memory_space<vmem>>
        %dma_start3A_336 = arith.constant 0 : i32
        %dma_start3A_337 = tpu.memref_slice %arg3[%add3A_331, %dma_start3A_336] : memref<12544x128xi32, #tpu.memory_space<hbm>> -> memref<4x128xi32, #tpu.memory_space<hbm>>
        %dma_start3A_338 = arith.constant 0 : i32
        %dma_start3A_339 = arith.constant 0 : i32
        %dma_start3A_340 = tpu.memref_slice %arg7[%sub3A_326, %dma_start3A_338, %dma_start3A_339] : memref<2x4x128xi32, #tpu.memory_space<vmem>> -> memref<1x4x128xi32, #tpu.memory_space<vmem>>
        %dma_start3A_341 = tpu.memref_squeeze %dma_start3A_340 : memref<1x4x128xi32, #tpu.memory_space<vmem>> -> memref<4x128xi32, #tpu.memory_space<vmem>>
        %dma_start3A_342 = arith.constant 0 : i32
        %dma_start3A_343 = tpu.memref_slice %arg3[%add3A_331, %dma_start3A_342] : memref<12544x128xi32, #tpu.memory_space<hbm>> -> memref<4x128xi32, #tpu.memory_space<hbm>>
        tpu.enqueue_dma source(%dma_start3A_343 : memref<4x128xi32, #tpu.memory_space<hbm>>) target(%dma_start3A_341 : memref<4x128xi32, #tpu.memory_space<vmem>>) target_semaphore(%arg11 : memref<!tpu.dma_semaphore, #tpu.memory_space<semaphore_mem>>)
        %dma_start3A_344 = arith.constant 0 : i32
        %dma_start3A_345 = arith.constant 0 : i32
        %dma_start3A_346 = tpu.memref_slice %arg8[%sub3A_326, %dma_start3A_344, %dma_start3A_345] : memref<2x4x128xi32, #tpu.memory_space<vmem>> -> memref<1x4x128xi32, #tpu.memory_space<vmem>>
        %dma_start3A_347 = tpu.memref_squeeze %dma_start3A_346 : memref<1x4x128xi32, #tpu.memory_space<vmem>> -> memref<4x128xi32, #tpu.memory_space<vmem>>
        %dma_start3A_348 = arith.constant 0 : i32
        %dma_start3A_349 = tpu.memref_slice %arg4[%add3A_331, %dma_start3A_348] : memref<12544x128xi32, #tpu.memory_space<hbm>> -> memref<4x128xi32, #tpu.memory_space<hbm>>
        %dma_start3A_350 = arith.constant 0 : i32
        %dma_start3A_351 = arith.constant 0 : i32
        %dma_start3A_352 = tpu.memref_slice %arg8[%sub3A_326, %dma_start3A_350, %dma_start3A_351] : memref<2x4x128xi32, #tpu.memory_space<vmem>> -> memref<1x4x128xi32, #tpu.memory_space<vmem>>
        %dma_start3A_353 = tpu.memref_squeeze %dma_start3A_352 : memref<1x4x128xi32, #tpu.memory_space<vmem>> -> memref<4x128xi32, #tpu.memory_space<vmem>>
        %dma_start3A_354 = arith.constant 0 : i32
        %dma_start3A_355 = tpu.memref_slice %arg4[%add3A_331, %dma_start3A_354] : memref<12544x128xi32, #tpu.memory_space<hbm>> -> memref<4x128xi32, #tpu.memory_space<hbm>>
        tpu.enqueue_dma source(%dma_start3A_355 : memref<4x128xi32, #tpu.memory_space<hbm>>) target(%dma_start3A_353 : memref<4x128xi32, #tpu.memory_space<vmem>>) target_semaphore(%arg11 : memref<!tpu.dma_semaphore, #tpu.memory_space<semaphore_mem>>)
      } else {
      }
      %dma_start3A_110 = arith.constant 0 : i32
      %dma_start3A_111 = arith.constant 0 : i32
      %dma_start3A_112 = arith.constant 0 : i32
      %dma_start3A_113 = tpu.memref_slice %arg9[%rem3A_73, %dma_start3A_111, %dma_start3A_112] : memref<2x512x16xf32, #tpu.memory_space<vmem>> -> memref<1x512x16xf32, #tpu.memory_space<vmem>>
      %dma_start3A_114 = tpu.memref_squeeze %dma_start3A_113 : memref<1x512x16xf32, #tpu.memory_space<vmem>> -> memref<512x16xf32, #tpu.memory_space<vmem>>
      %dma_start3A_115 = arith.constant 0 : i32
      %dma_start3A_116 = arith.constant 0 : i32
      %dma_start3A_117 = tpu.memref_slice %dma_start3A_114[%dma_start3A_115, %dma_start3A_116] : memref<512x16xf32, #tpu.memory_space<vmem>> -> memref<128x16xf32, #tpu.memory_space<vmem>>
      %dma_start3A_118 = arith.constant 0 : i32
      %dma_start3A_119 = arith.constant 0 : i32
      %dma_start3A_120 = tpu.memref_slice %arg7[%rem3A_73, %dma_start3A_118, %dma_start3A_119] : memref<2x4x128xi32, #tpu.memory_space<vmem>> -> memref<1x4x128xi32, #tpu.memory_space<vmem>>
      %dma_start3A_121 = tpu.memref_squeeze %dma_start3A_120 : memref<1x4x128xi32, #tpu.memory_space<vmem>> -> memref<4x128xi32, #tpu.memory_space<vmem>>
      %dma_start3A_122 = arith.constant 0 : i32
      %dma_start3A_123 = tpu.memref_slice %dma_start3A_121[%dma_start3A_110, %dma_start3A_122] : memref<4x128xi32, #tpu.memory_space<vmem>> -> memref<1x128xi32, #tpu.memory_space<vmem>>
      %dma_start3A_124 = tpu.memref_squeeze %dma_start3A_123 : memref<1x128xi32, #tpu.memory_space<vmem>> -> memref<128xi32, #tpu.memory_space<vmem>>
      %dma_start3A_125 = arith.constant 0 : i32
      %dma_start3A_126 = arith.constant 0 : i32
      %dma_start3A_127 = tpu.memref_slice %arg2[%dma_start3A_125, %dma_start3A_126] : memref<100352x16xf32, #tpu.memory_space<hbm>> -> memref<100352x16xf32, #tpu.memory_space<hbm>>
      tpu.enqueue_indirect_dma source(%dma_start3A_127 : memref<100352x16xf32, #tpu.memory_space<hbm>>) target(%dma_start3A_117 : memref<128x16xf32, #tpu.memory_space<vmem>>) offsets(%dma_start3A_124 : memref<128xi32, #tpu.memory_space<vmem>>) semaphore(%arg12 : memref<!tpu.dma_semaphore, #tpu.memory_space<semaphore_mem>>)
      %dma_start3A_128 = arith.constant 1 : i32
      %dma_start3A_129 = arith.constant 0 : i32
      %dma_start3A_130 = arith.constant 0 : i32
      %dma_start3A_131 = tpu.memref_slice %arg9[%rem3A_73, %dma_start3A_129, %dma_start3A_130] : memref<2x512x16xf32, #tpu.memory_space<vmem>> -> memref<1x512x16xf32, #tpu.memory_space<vmem>>
      %dma_start3A_132 = tpu.memref_squeeze %dma_start3A_131 : memref<1x512x16xf32, #tpu.memory_space<vmem>> -> memref<512x16xf32, #tpu.memory_space<vmem>>
      %dma_start3A_133 = arith.constant 128 : i32
      %dma_start3A_134 = arith.constant 0 : i32
      %dma_start3A_135 = tpu.memref_slice %dma_start3A_132[%dma_start3A_133, %dma_start3A_134] : memref<512x16xf32, #tpu.memory_space<vmem>> -> memref<128x16xf32, #tpu.memory_space<vmem>>
      %dma_start3A_136 = arith.constant 0 : i32
      %dma_start3A_137 = arith.constant 0 : i32
      %dma_start3A_138 = tpu.memref_slice %arg7[%rem3A_73, %dma_start3A_136, %dma_start3A_137] : memref<2x4x128xi32, #tpu.memory_space<vmem>> -> memref<1x4x128xi32, #tpu.memory_space<vmem>>
      %dma_start3A_139 = tpu.memref_squeeze %dma_start3A_138 : memref<1x4x128xi32, #tpu.memory_space<vmem>> -> memref<4x128xi32, #tpu.memory_space<vmem>>
      %dma_start3A_140 = arith.constant 0 : i32
      %dma_start3A_141 = tpu.memref_slice %dma_start3A_139[%dma_start3A_128, %dma_start3A_140] : memref<4x128xi32, #tpu.memory_space<vmem>> -> memref<1x128xi32, #tpu.memory_space<vmem>>
      %dma_start3A_142 = tpu.memref_squeeze %dma_start3A_141 : memref<1x128xi32, #tpu.memory_space<vmem>> -> memref<128xi32, #tpu.memory_space<vmem>>
      %dma_start3A_143 = arith.constant 0 : i32
      %dma_start3A_144 = arith.constant 0 : i32
      %dma_start3A_145 = tpu.memref_slice %arg2[%dma_start3A_143, %dma_start3A_144] : memref<100352x16xf32, #tpu.memory_space<hbm>> -> memref<100352x16xf32, #tpu.memory_space<hbm>>
      tpu.enqueue_indirect_dma source(%dma_start3A_145 : memref<100352x16xf32, #tpu.memory_space<hbm>>) target(%dma_start3A_135 : memref<128x16xf32, #tpu.memory_space<vmem>>) offsets(%dma_start3A_142 : memref<128xi32, #tpu.memory_space<vmem>>) semaphore(%arg12 : memref<!tpu.dma_semaphore, #tpu.memory_space<semaphore_mem>>)
      %dma_start3A_146 = arith.constant 2 : i32
      %dma_start3A_147 = arith.constant 0 : i32
      %dma_start3A_148 = arith.constant 0 : i32
      %dma_start3A_149 = tpu.memref_slice %arg9[%rem3A_73, %dma_start3A_147, %dma_start3A_148] : memref<2x512x16xf32, #tpu.memory_space<vmem>> -> memref<1x512x16xf32, #tpu.memory_space<vmem>>
      %dma_start3A_150 = tpu.memref_squeeze %dma_start3A_149 : memref<1x512x16xf32, #tpu.memory_space<vmem>> -> memref<512x16xf32, #tpu.memory_space<vmem>>
      %dma_start3A_151 = arith.constant 256 : i32
      %dma_start3A_152 = arith.constant 0 : i32
      %dma_start3A_153 = tpu.memref_slice %dma_start3A_150[%dma_start3A_151, %dma_start3A_152] : memref<512x16xf32, #tpu.memory_space<vmem>> -> memref<128x16xf32, #tpu.memory_space<vmem>>
      %dma_start3A_154 = arith.constant 0 : i32
      %dma_start3A_155 = arith.constant 0 : i32
      %dma_start3A_156 = tpu.memref_slice %arg7[%rem3A_73, %dma_start3A_154, %dma_start3A_155] : memref<2x4x128xi32, #tpu.memory_space<vmem>> -> memref<1x4x128xi32, #tpu.memory_space<vmem>>
      %dma_start3A_157 = tpu.memref_squeeze %dma_start3A_156 : memref<1x4x128xi32, #tpu.memory_space<vmem>> -> memref<4x128xi32, #tpu.memory_space<vmem>>
      %dma_start3A_158 = arith.constant 0 : i32
      %dma_start3A_159 = tpu.memref_slice %dma_start3A_157[%dma_start3A_146, %dma_start3A_158] : memref<4x128xi32, #tpu.memory_space<vmem>> -> memref<1x128xi32, #tpu.memory_space<vmem>>
      %dma_start3A_160 = tpu.memref_squeeze %dma_start3A_159 : memref<1x128xi32, #tpu.memory_space<vmem>> -> memref<128xi32, #tpu.memory_space<vmem>>
      %dma_start3A_161 = arith.constant 0 : i32
      %dma_start3A_162 = arith.constant 0 : i32
      %dma_start3A_163 = tpu.memref_slice %arg2[%dma_start3A_161, %dma_start3A_162] : memref<100352x16xf32, #tpu.memory_space<hbm>> -> memref<100352x16xf32, #tpu.memory_space<hbm>>
      tpu.enqueue_indirect_dma source(%dma_start3A_163 : memref<100352x16xf32, #tpu.memory_space<hbm>>) target(%dma_start3A_153 : memref<128x16xf32, #tpu.memory_space<vmem>>) offsets(%dma_start3A_160 : memref<128xi32, #tpu.memory_space<vmem>>) semaphore(%arg12 : memref<!tpu.dma_semaphore, #tpu.memory_space<semaphore_mem>>)
      %dma_start3A_164 = arith.constant 3 : i32
      %dma_start3A_165 = arith.constant 0 : i32
      %dma_start3A_166 = arith.constant 0 : i32
      %dma_start3A_167 = tpu.memref_slice %arg9[%rem3A_73, %dma_start3A_165, %dma_start3A_166] : memref<2x512x16xf32, #tpu.memory_space<vmem>> -> memref<1x512x16xf32, #tpu.memory_space<vmem>>
      %dma_start3A_168 = tpu.memref_squeeze %dma_start3A_167 : memref<1x512x16xf32, #tpu.memory_space<vmem>> -> memref<512x16xf32, #tpu.memory_space<vmem>>
      %dma_start3A_169 = arith.constant 384 : i32
      %dma_start3A_170 = arith.constant 0 : i32
      %dma_start3A_171 = tpu.memref_slice %dma_start3A_168[%dma_start3A_169, %dma_start3A_170] : memref<512x16xf32, #tpu.memory_space<vmem>> -> memref<128x16xf32, #tpu.memory_space<vmem>>
      %dma_start3A_172 = arith.constant 0 : i32
      %dma_start3A_173 = arith.constant 0 : i32
      %dma_start3A_174 = tpu.memref_slice %arg7[%rem3A_73, %dma_start3A_172, %dma_start3A_173] : memref<2x4x128xi32, #tpu.memory_space<vmem>> -> memref<1x4x128xi32, #tpu.memory_space<vmem>>
      %dma_start3A_175 = tpu.memref_squeeze %dma_start3A_174 : memref<1x4x128xi32, #tpu.memory_space<vmem>> -> memref<4x128xi32, #tpu.memory_space<vmem>>
      %dma_start3A_176 = arith.constant 0 : i32
      %dma_start3A_177 = tpu.memref_slice %dma_start3A_175[%dma_start3A_164, %dma_start3A_176] : memref<4x128xi32, #tpu.memory_space<vmem>> -> memref<1x128xi32, #tpu.memory_space<vmem>>
      %dma_start3A_178 = tpu.memref_squeeze %dma_start3A_177 : memref<1x128xi32, #tpu.memory_space<vmem>> -> memref<128xi32, #tpu.memory_space<vmem>>
      %dma_start3A_179 = arith.constant 0 : i32
      %dma_start3A_180 = arith.constant 0 : i32
      %dma_start3A_181 = tpu.memref_slice %arg2[%dma_start3A_179, %dma_start3A_180] : memref<100352x16xf32, #tpu.memory_space<hbm>> -> memref<100352x16xf32, #tpu.memory_space<hbm>>
      tpu.enqueue_indirect_dma source(%dma_start3A_181 : memref<100352x16xf32, #tpu.memory_space<hbm>>) target(%dma_start3A_171 : memref<128x16xf32, #tpu.memory_space<vmem>>) offsets(%dma_start3A_178 : memref<128xi32, #tpu.memory_space<vmem>>) semaphore(%arg12 : memref<!tpu.dma_semaphore, #tpu.memory_space<semaphore_mem>>)
      %dma_wait3A_182 = arith.constant 0 : i32
      %dma_wait3A_183 = arith.constant 0 : i32
      %dma_wait3A_184 = arith.constant 0 : i32
      %dma_wait3A_185 = tpu.memref_slice %arg9[%rem3A_73, %dma_wait3A_183, %dma_wait3A_184] : memref<2x512x16xf32, #tpu.memory_space<vmem>> -> memref<1x512x16xf32, #tpu.memory_space<vmem>>
      %dma_wait3A_186 = tpu.memref_squeeze %dma_wait3A_185 : memref<1x512x16xf32, #tpu.memory_space<vmem>> -> memref<512x16xf32, #tpu.memory_space<vmem>>
      %dma_wait3A_187 = arith.constant 0 : i32
      %dma_wait3A_188 = arith.constant 0 : i32
      %dma_wait3A_189 = tpu.memref_slice %dma_wait3A_186[%dma_wait3A_187, %dma_wait3A_188] : memref<512x16xf32, #tpu.memory_space<vmem>> -> memref<128x16xf32, #tpu.memory_space<vmem>>
      %dma_wait3A_190 = arith.constant 0 : i32
      %dma_wait3A_191 = arith.constant 0 : i32
      %dma_wait3A_192 = tpu.memref_slice %arg7[%rem3A_73, %dma_wait3A_190, %dma_wait3A_191] : memref<2x4x128xi32, #tpu.memory_space<vmem>> -> memref<1x4x128xi32, #tpu.memory_space<vmem>>
      %dma_wait3A_193 = tpu.memref_squeeze %dma_wait3A_192 : memref<1x4x128xi32, #tpu.memory_space<vmem>> -> memref<4x128xi32, #tpu.memory_space<vmem>>
      %dma_wait3A_194 = arith.constant 0 : i32
      %dma_wait3A_195 = tpu.memref_slice %dma_wait3A_193[%dma_wait3A_182, %dma_wait3A_194] : memref<4x128xi32, #tpu.memory_space<vmem>> -> memref<1x128xi32, #tpu.memory_space<vmem>>
      %dma_wait3A_196 = tpu.memref_squeeze %dma_wait3A_195 : memref<1x128xi32, #tpu.memory_space<vmem>> -> memref<128xi32, #tpu.memory_space<vmem>>
      %dma_wait3A_197 = arith.constant 0 : i32
      %dma_wait3A_198 = arith.constant 0 : i32
      %dma_wait3A_199 = tpu.memref_slice %arg2[%dma_wait3A_197, %dma_wait3A_198] : memref<100352x16xf32, #tpu.memory_space<hbm>> -> memref<100352x16xf32, #tpu.memory_space<hbm>>
      tpu.wait_indirect_dma semaphore(%arg12 : memref<!tpu.dma_semaphore, #tpu.memory_space<semaphore_mem>>) src(%dma_wait3A_199 : memref<100352x16xf32, #tpu.memory_space<hbm>>) dst(%dma_wait3A_189 : memref<128x16xf32, #tpu.memory_space<vmem>>)
      %dma_wait3A_200 = arith.constant 1 : i32
      %dma_wait3A_201 = arith.constant 0 : i32
      %dma_wait3A_202 = arith.constant 0 : i32
      %dma_wait3A_203 = tpu.memref_slice %arg9[%rem3A_73, %dma_wait3A_201, %dma_wait3A_202] : memref<2x512x16xf32, #tpu.memory_space<vmem>> -> memref<1x512x16xf32, #tpu.memory_space<vmem>>
      %dma_wait3A_204 = tpu.memref_squeeze %dma_wait3A_203 : memref<1x512x16xf32, #tpu.memory_space<vmem>> -> memref<512x16xf32, #tpu.memory_space<vmem>>
      %dma_wait3A_205 = arith.constant 128 : i32
      %dma_wait3A_206 = arith.constant 0 : i32
      %dma_wait3A_207 = tpu.memref_slice %dma_wait3A_204[%dma_wait3A_205, %dma_wait3A_206] : memref<512x16xf32, #tpu.memory_space<vmem>> -> memref<128x16xf32, #tpu.memory_space<vmem>>
      %dma_wait3A_208 = arith.constant 0 : i32
      %dma_wait3A_209 = arith.constant 0 : i32
      %dma_wait3A_210 = tpu.memref_slice %arg7[%rem3A_73, %dma_wait3A_208, %dma_wait3A_209] : memref<2x4x128xi32, #tpu.memory_space<vmem>> -> memref<1x4x128xi32, #tpu.memory_space<vmem>>
      %dma_wait3A_211 = tpu.memref_squeeze %dma_wait3A_210 : memref<1x4x128xi32, #tpu.memory_space<vmem>> -> memref<4x128xi32, #tpu.memory_space<vmem>>
      %dma_wait3A_212 = arith.constant 0 : i32
      %dma_wait3A_213 = tpu.memref_slice %dma_wait3A_211[%dma_wait3A_200, %dma_wait3A_212] : memref<4x128xi32, #tpu.memory_space<vmem>> -> memref<1x128xi32, #tpu.memory_space<vmem>>
      %dma_wait3A_214 = tpu.memref_squeeze %dma_wait3A_213 : memref<1x128xi32, #tpu.memory_space<vmem>> -> memref<128xi32, #tpu.memory_space<vmem>>
      %dma_wait3A_215 = arith.constant 0 : i32
      %dma_wait3A_216 = arith.constant 0 : i32
      %dma_wait3A_217 = tpu.memref_slice %arg2[%dma_wait3A_215, %dma_wait3A_216] : memref<100352x16xf32, #tpu.memory_space<hbm>> -> memref<100352x16xf32, #tpu.memory_space<hbm>>
      tpu.wait_indirect_dma semaphore(%arg12 : memref<!tpu.dma_semaphore, #tpu.memory_space<semaphore_mem>>) src(%dma_wait3A_217 : memref<100352x16xf32, #tpu.memory_space<hbm>>) dst(%dma_wait3A_207 : memref<128x16xf32, #tpu.memory_space<vmem>>)
      %dma_wait3A_218 = arith.constant 2 : i32
      %dma_wait3A_219 = arith.constant 0 : i32
      %dma_wait3A_220 = arith.constant 0 : i32
      %dma_wait3A_221 = tpu.memref_slice %arg9[%rem3A_73, %dma_wait3A_219, %dma_wait3A_220] : memref<2x512x16xf32, #tpu.memory_space<vmem>> -> memref<1x512x16xf32, #tpu.memory_space<vmem>>
      %dma_wait3A_222 = tpu.memref_squeeze %dma_wait3A_221 : memref<1x512x16xf32, #tpu.memory_space<vmem>> -> memref<512x16xf32, #tpu.memory_space<vmem>>
      %dma_wait3A_223 = arith.constant 256 : i32
      %dma_wait3A_224 = arith.constant 0 : i32
      %dma_wait3A_225 = tpu.memref_slice %dma_wait3A_222[%dma_wait3A_223, %dma_wait3A_224] : memref<512x16xf32, #tpu.memory_space<vmem>> -> memref<128x16xf32, #tpu.memory_space<vmem>>
      %dma_wait3A_226 = arith.constant 0 : i32
      %dma_wait3A_227 = arith.constant 0 : i32
      %dma_wait3A_228 = tpu.memref_slice %arg7[%rem3A_73, %dma_wait3A_226, %dma_wait3A_227] : memref<2x4x128xi32, #tpu.memory_space<vmem>> -> memref<1x4x128xi32, #tpu.memory_space<vmem>>
      %dma_wait3A_229 = tpu.memref_squeeze %dma_wait3A_228 : memref<1x4x128xi32, #tpu.memory_space<vmem>> -> memref<4x128xi32, #tpu.memory_space<vmem>>
      %dma_wait3A_230 = arith.constant 0 : i32
      %dma_wait3A_231 = tpu.memref_slice %dma_wait3A_229[%dma_wait3A_218, %dma_wait3A_230] : memref<4x128xi32, #tpu.memory_space<vmem>> -> memref<1x128xi32, #tpu.memory_space<vmem>>
      %dma_wait3A_232 = tpu.memref_squeeze %dma_wait3A_231 : memref<1x128xi32, #tpu.memory_space<vmem>> -> memref<128xi32, #tpu.memory_space<vmem>>
      %dma_wait3A_233 = arith.constant 0 : i32
      %dma_wait3A_234 = arith.constant 0 : i32
      %dma_wait3A_235 = tpu.memref_slice %arg2[%dma_wait3A_233, %dma_wait3A_234] : memref<100352x16xf32, #tpu.memory_space<hbm>> -> memref<100352x16xf32, #tpu.memory_space<hbm>>
      tpu.wait_indirect_dma semaphore(%arg12 : memref<!tpu.dma_semaphore, #tpu.memory_space<semaphore_mem>>) src(%dma_wait3A_235 : memref<100352x16xf32, #tpu.memory_space<hbm>>) dst(%dma_wait3A_225 : memref<128x16xf32, #tpu.memory_space<vmem>>)
      %dma_wait3A_236 = arith.constant 3 : i32
      %dma_wait3A_237 = arith.constant 0 : i32
      %dma_wait3A_238 = arith.constant 0 : i32
      %dma_wait3A_239 = tpu.memref_slice %arg9[%rem3A_73, %dma_wait3A_237, %dma_wait3A_238] : memref<2x512x16xf32, #tpu.memory_space<vmem>> -> memref<1x512x16xf32, #tpu.memory_space<vmem>>
      %dma_wait3A_240 = tpu.memref_squeeze %dma_wait3A_239 : memref<1x512x16xf32, #tpu.memory_space<vmem>> -> memref<512x16xf32, #tpu.memory_space<vmem>>
      %dma_wait3A_241 = arith.constant 384 : i32
      %dma_wait3A_242 = arith.constant 0 : i32
      %dma_wait3A_243 = tpu.memref_slice %dma_wait3A_240[%dma_wait3A_241, %dma_wait3A_242] : memref<512x16xf32, #tpu.memory_space<vmem>> -> memref<128x16xf32, #tpu.memory_space<vmem>>
      %dma_wait3A_244 = arith.constant 0 : i32
      %dma_wait3A_245 = arith.constant 0 : i32
      %dma_wait3A_246 = tpu.memref_slice %arg7[%rem3A_73, %dma_wait3A_244, %dma_wait3A_245] : memref<2x4x128xi32, #tpu.memory_space<vmem>> -> memref<1x4x128xi32, #tpu.memory_space<vmem>>
      %dma_wait3A_247 = tpu.memref_squeeze %dma_wait3A_246 : memref<1x4x128xi32, #tpu.memory_space<vmem>> -> memref<4x128xi32, #tpu.memory_space<vmem>>
      %dma_wait3A_248 = arith.constant 0 : i32
      %dma_wait3A_249 = tpu.memref_slice %dma_wait3A_247[%dma_wait3A_236, %dma_wait3A_248] : memref<4x128xi32, #tpu.memory_space<vmem>> -> memref<1x128xi32, #tpu.memory_space<vmem>>
      %dma_wait3A_250 = tpu.memref_squeeze %dma_wait3A_249 : memref<1x128xi32, #tpu.memory_space<vmem>> -> memref<128xi32, #tpu.memory_space<vmem>>
      %dma_wait3A_251 = arith.constant 0 : i32
      %dma_wait3A_252 = arith.constant 0 : i32
      %dma_wait3A_253 = tpu.memref_slice %arg2[%dma_wait3A_251, %dma_wait3A_252] : memref<100352x16xf32, #tpu.memory_space<hbm>> -> memref<100352x16xf32, #tpu.memory_space<hbm>>
      tpu.wait_indirect_dma semaphore(%arg12 : memref<!tpu.dma_semaphore, #tpu.memory_space<semaphore_mem>>) src(%dma_wait3A_253 : memref<100352x16xf32, #tpu.memory_space<hbm>>) dst(%dma_wait3A_243 : memref<128x16xf32, #tpu.memory_space<vmem>>)
      %dma_start3A_254 = arith.constant 0 : i32
      %dma_start3A_255 = arith.constant 0 : i32
      %dma_start3A_256 = arith.constant 0 : i32
      %dma_start3A_257 = tpu.memref_slice %arg9[%rem3A_73, %dma_start3A_255, %dma_start3A_256] : memref<2x512x16xf32, #tpu.memory_space<vmem>> -> memref<1x512x16xf32, #tpu.memory_space<vmem>>
      %dma_start3A_258 = tpu.memref_squeeze %dma_start3A_257 : memref<1x512x16xf32, #tpu.memory_space<vmem>> -> memref<512x16xf32, #tpu.memory_space<vmem>>
      %dma_start3A_259 = arith.constant 0 : i32
      %dma_start3A_260 = arith.constant 0 : i32
      %dma_start3A_261 = tpu.memref_slice %dma_start3A_258[%dma_start3A_259, %dma_start3A_260] : memref<512x16xf32, #tpu.memory_space<vmem>> -> memref<128x16xf32, #tpu.memory_space<vmem>>
      %dma_start3A_262 = arith.constant 0 : i32
      %dma_start3A_263 = arith.constant 0 : i32
      %dma_start3A_264 = tpu.memref_slice %arg8[%rem3A_73, %dma_start3A_262, %dma_start3A_263] : memref<2x4x128xi32, #tpu.memory_space<vmem>> -> memref<1x4x128xi32, #tpu.memory_space<vmem>>
      %dma_start3A_265 = tpu.memref_squeeze %dma_start3A_264 : memref<1x4x128xi32, #tpu.memory_space<vmem>> -> memref<4x128xi32, #tpu.memory_space<vmem>>
      %dma_start3A_266 = arith.constant 0 : i32
      %dma_start3A_267 = tpu.memref_slice %dma_start3A_265[%dma_start3A_254, %dma_start3A_266] : memref<4x128xi32, #tpu.memory_space<vmem>> -> memref<1x128xi32, #tpu.memory_space<vmem>>
      %dma_start3A_268 = tpu.memref_squeeze %dma_start3A_267 : memref<1x128xi32, #tpu.memory_space<vmem>> -> memref<128xi32, #tpu.memory_space<vmem>>
      %dma_start3A_269 = arith.constant 0 : i32
      %dma_start3A_270 = arith.constant 0 : i32
      %dma_start3A_271 = tpu.memref_slice %arg10[%dma_start3A_269, %dma_start3A_270] : memref<100352x16xf32, #tpu.memory_space<vmem_shared>> -> memref<100352x16xf32, #tpu.memory_space<vmem_shared>>
      tpu.enqueue_indirect_dma source(%dma_start3A_261 : memref<128x16xf32, #tpu.memory_space<vmem>>) target(%dma_start3A_271 : memref<100352x16xf32, #tpu.memory_space<vmem_shared>>) offsets(%dma_start3A_268 : memref<128xi32, #tpu.memory_space<vmem>>) semaphore(%arg13 : memref<!tpu.dma_semaphore, #tpu.memory_space<semaphore_mem>>) {add = true}
      %dma_start3A_272 = arith.constant 1 : i32
      %dma_start3A_273 = arith.constant 0 : i32
      %dma_start3A_274 = arith.constant 0 : i32
      %dma_start3A_275 = tpu.memref_slice %arg9[%rem3A_73, %dma_start3A_273, %dma_start3A_274] : memref<2x512x16xf32, #tpu.memory_space<vmem>> -> memref<1x512x16xf32, #tpu.memory_space<vmem>>
      %dma_start3A_276 = tpu.memref_squeeze %dma_start3A_275 : memref<1x512x16xf32, #tpu.memory_space<vmem>> -> memref<512x16xf32, #tpu.memory_space<vmem>>
      %dma_start3A_277 = arith.constant 128 : i32
      %dma_start3A_278 = arith.constant 0 : i32
      %dma_start3A_279 = tpu.memref_slice %dma_start3A_276[%dma_start3A_277, %dma_start3A_278] : memref<512x16xf32, #tpu.memory_space<vmem>> -> memref<128x16xf32, #tpu.memory_space<vmem>>
      %dma_start3A_280 = arith.constant 0 : i32
      %dma_start3A_281 = arith.constant 0 : i32
      %dma_start3A_282 = tpu.memref_slice %arg8[%rem3A_73, %dma_start3A_280, %dma_start3A_281] : memref<2x4x128xi32, #tpu.memory_space<vmem>> -> memref<1x4x128xi32, #tpu.memory_space<vmem>>
      %dma_start3A_283 = tpu.memref_squeeze %dma_start3A_282 : memref<1x4x128xi32, #tpu.memory_space<vmem>> -> memref<4x128xi32, #tpu.memory_space<vmem>>
      %dma_start3A_284 = arith.constant 0 : i32
      %dma_start3A_285 = tpu.memref_slice %dma_start3A_283[%dma_start3A_272, %dma_start3A_284] : memref<4x128xi32, #tpu.memory_space<vmem>> -> memref<1x128xi32, #tpu.memory_space<vmem>>
      %dma_start3A_286 = tpu.memref_squeeze %dma_start3A_285 : memref<1x128xi32, #tpu.memory_space<vmem>> -> memref<128xi32, #tpu.memory_space<vmem>>
      %dma_start3A_287 = arith.constant 0 : i32
      %dma_start3A_288 = arith.constant 0 : i32
      %dma_start3A_289 = tpu.memref_slice %arg10[%dma_start3A_287, %dma_start3A_288] : memref<100352x16xf32, #tpu.memory_space<vmem_shared>> -> memref<100352x16xf32, #tpu.memory_space<vmem_shared>>
      tpu.enqueue_indirect_dma source(%dma_start3A_279 : memref<128x16xf32, #tpu.memory_space<vmem>>) target(%dma_start3A_289 : memref<100352x16xf32, #tpu.memory_space<vmem_shared>>) offsets(%dma_start3A_286 : memref<128xi32, #tpu.memory_space<vmem>>) semaphore(%arg13 : memref<!tpu.dma_semaphore, #tpu.memory_space<semaphore_mem>>) {add = true}
      %dma_start3A_290 = arith.constant 2 : i32
      %dma_start3A_291 = arith.constant 0 : i32
      %dma_start3A_292 = arith.constant 0 : i32
      %dma_start3A_293 = tpu.memref_slice %arg9[%rem3A_73, %dma_start3A_291, %dma_start3A_292] : memref<2x512x16xf32, #tpu.memory_space<vmem>> -> memref<1x512x16xf32, #tpu.memory_space<vmem>>
      %dma_start3A_294 = tpu.memref_squeeze %dma_start3A_293 : memref<1x512x16xf32, #tpu.memory_space<vmem>> -> memref<512x16xf32, #tpu.memory_space<vmem>>
      %dma_start3A_295 = arith.constant 256 : i32
      %dma_start3A_296 = arith.constant 0 : i32
      %dma_start3A_297 = tpu.memref_slice %dma_start3A_294[%dma_start3A_295, %dma_start3A_296] : memref<512x16xf32, #tpu.memory_space<vmem>> -> memref<128x16xf32, #tpu.memory_space<vmem>>
      %dma_start3A_298 = arith.constant 0 : i32
      %dma_start3A_299 = arith.constant 0 : i32
      %dma_start3A_300 = tpu.memref_slice %arg8[%rem3A_73, %dma_start3A_298, %dma_start3A_299] : memref<2x4x128xi32, #tpu.memory_space<vmem>> -> memref<1x4x128xi32, #tpu.memory_space<vmem>>
      %dma_start3A_301 = tpu.memref_squeeze %dma_start3A_300 : memref<1x4x128xi32, #tpu.memory_space<vmem>> -> memref<4x128xi32, #tpu.memory_space<vmem>>
      %dma_start3A_302 = arith.constant 0 : i32
      %dma_start3A_303 = tpu.memref_slice %dma_start3A_301[%dma_start3A_290, %dma_start3A_302] : memref<4x128xi32, #tpu.memory_space<vmem>> -> memref<1x128xi32, #tpu.memory_space<vmem>>
      %dma_start3A_304 = tpu.memref_squeeze %dma_start3A_303 : memref<1x128xi32, #tpu.memory_space<vmem>> -> memref<128xi32, #tpu.memory_space<vmem>>
      %dma_start3A_305 = arith.constant 0 : i32
      %dma_start3A_306 = arith.constant 0 : i32
      %dma_start3A_307 = tpu.memref_slice %arg10[%dma_start3A_305, %dma_start3A_306] : memref<100352x16xf32, #tpu.memory_space<vmem_shared>> -> memref<100352x16xf32, #tpu.memory_space<vmem_shared>>
      tpu.enqueue_indirect_dma source(%dma_start3A_297 : memref<128x16xf32, #tpu.memory_space<vmem>>) target(%dma_start3A_307 : memref<100352x16xf32, #tpu.memory_space<vmem_shared>>) offsets(%dma_start3A_304 : memref<128xi32, #tpu.memory_space<vmem>>) semaphore(%arg13 : memref<!tpu.dma_semaphore, #tpu.memory_space<semaphore_mem>>) {add = true}
      %dma_start3A_308 = arith.constant 3 : i32
      %dma_start3A_309 = arith.constant 0 : i32
      %dma_start3A_310 = arith.constant 0 : i32
      %dma_start3A_311 = tpu.memref_slice %arg9[%rem3A_73, %dma_start3A_309, %dma_start3A_310] : memref<2x512x16xf32, #tpu.memory_space<vmem>> -> memref<1x512x16xf32, #tpu.memory_space<vmem>>
      %dma_start3A_312 = tpu.memref_squeeze %dma_start3A_311 : memref<1x512x16xf32, #tpu.memory_space<vmem>> -> memref<512x16xf32, #tpu.memory_space<vmem>>
      %dma_start3A_313 = arith.constant 384 : i32
      %dma_start3A_314 = arith.constant 0 : i32
      %dma_start3A_315 = tpu.memref_slice %dma_start3A_312[%dma_start3A_313, %dma_start3A_314] : memref<512x16xf32, #tpu.memory_space<vmem>> -> memref<128x16xf32, #tpu.memory_space<vmem>>
      %dma_start3A_316 = arith.constant 0 : i32
      %dma_start3A_317 = arith.constant 0 : i32
      %dma_start3A_318 = tpu.memref_slice %arg8[%rem3A_73, %dma_start3A_316, %dma_start3A_317] : memref<2x4x128xi32, #tpu.memory_space<vmem>> -> memref<1x4x128xi32, #tpu.memory_space<vmem>>
      %dma_start3A_319 = tpu.memref_squeeze %dma_start3A_318 : memref<1x4x128xi32, #tpu.memory_space<vmem>> -> memref<4x128xi32, #tpu.memory_space<vmem>>
      %dma_start3A_320 = arith.constant 0 : i32
      %dma_start3A_321 = tpu.memref_slice %dma_start3A_319[%dma_start3A_308, %dma_start3A_320] : memref<4x128xi32, #tpu.memory_space<vmem>> -> memref<1x128xi32, #tpu.memory_space<vmem>>
      %dma_start3A_322 = tpu.memref_squeeze %dma_start3A_321 : memref<1x128xi32, #tpu.memory_space<vmem>> -> memref<128xi32, #tpu.memory_space<vmem>>
      %dma_start3A_323 = arith.constant 0 : i32
      %dma_start3A_324 = arith.constant 0 : i32
      %dma_start3A_325 = tpu.memref_slice %arg10[%dma_start3A_323, %dma_start3A_324] : memref<100352x16xf32, #tpu.memory_space<vmem_shared>> -> memref<100352x16xf32, #tpu.memory_space<vmem_shared>>
      tpu.enqueue_indirect_dma source(%dma_start3A_315 : memref<128x16xf32, #tpu.memory_space<vmem>>) target(%dma_start3A_325 : memref<100352x16xf32, #tpu.memory_space<vmem_shared>>) offsets(%dma_start3A_322 : memref<128xi32, #tpu.memory_space<vmem>>) semaphore(%arg13 : memref<!tpu.dma_semaphore, #tpu.memory_space<semaphore_mem>>) {add = true}
    }
    %scan3A_33 = arith.constant 98 : i32
    %dma_wait3A = arith.constant 0 : i32
    %dma_wait3A_34 = arith.constant 0 : i32
    %dma_wait3A_35 = arith.constant 0 : i32
    %dma_wait3A_36 = tpu.memref_slice %arg9[%dma_wait3A, %dma_wait3A_34, %dma_wait3A_35] : memref<2x512x16xf32, #tpu.memory_space<vmem>> -> memref<1x512x16xf32, #tpu.memory_space<vmem>>
    %dma_wait3A_37 = tpu.memref_squeeze %dma_wait3A_36 : memref<1x512x16xf32, #tpu.memory_space<vmem>> -> memref<512x16xf32, #tpu.memory_space<vmem>>
    %dma_wait3A_38 = arith.constant 0 : i32
    %dma_wait3A_39 = arith.constant 0 : i32
    %dma_wait3A_40 = tpu.memref_slice %arg5[%dma_wait3A_38, %dma_wait3A_39] : memref<6272x16xf32, #tpu.memory_space<hbm>> -> memref<512x16xf32, #tpu.memory_space<hbm>>
    %dma_wait3A_41 = arith.constant 0 : i32
    %dma_wait3A_42 = arith.constant 0 : i32
    %dma_wait3A_43 = tpu.memref_slice %arg9[%dma_wait3A, %dma_wait3A_41, %dma_wait3A_42] : memref<2x512x16xf32, #tpu.memory_space<vmem>> -> memref<1x512x16xf32, #tpu.memory_space<vmem>>
    %dma_wait3A_44 = tpu.memref_squeeze %dma_wait3A_43 : memref<1x512x16xf32, #tpu.memory_space<vmem>> -> memref<512x16xf32, #tpu.memory_space<vmem>>
    %dma_wait3A_45 = arith.constant 0 : i32
    %dma_wait3A_46 = arith.constant 0 : i32
    %dma_wait3A_47 = tpu.memref_slice %arg5[%dma_wait3A_45, %dma_wait3A_46] : memref<6272x16xf32, #tpu.memory_space<hbm>> -> memref<512x16xf32, #tpu.memory_space<hbm>>
    tpu.wait_dma2 semaphore(%arg13 : memref<!tpu.dma_semaphore, #tpu.memory_space<semaphore_mem>>) src(%dma_wait3A_47 : memref<512x16xf32, #tpu.memory_space<hbm>>) dst(%dma_wait3A_44 : memref<512x16xf32, #tpu.memory_space<vmem>>)
    %dma_wait3A_48 = arith.constant 1 : i32
    %dma_wait3A_49 = arith.constant 0 : i32
    %dma_wait3A_50 = arith.constant 0 : i32
    %dma_wait3A_51 = tpu.memref_slice %arg9[%dma_wait3A_48, %dma_wait3A_49, %dma_wait3A_50] : memref<2x512x16xf32, #tpu.memory_space<vmem>> -> memref<1x512x16xf32, #tpu.memory_space<vmem>>
    %dma_wait3A_52 = tpu.memref_squeeze %dma_wait3A_51 : memref<1x512x16xf32, #tpu.memory_space<vmem>> -> memref<512x16xf32, #tpu.memory_space<vmem>>
    %dma_wait3A_53 = arith.constant 0 : i32
    %dma_wait3A_54 = arith.constant 0 : i32
    %dma_wait3A_55 = tpu.memref_slice %arg5[%dma_wait3A_53, %dma_wait3A_54] : memref<6272x16xf32, #tpu.memory_space<hbm>> -> memref<512x16xf32, #tpu.memory_space<hbm>>
    %dma_wait3A_56 = arith.constant 0 : i32
    %dma_wait3A_57 = arith.constant 0 : i32
    %dma_wait3A_58 = tpu.memref_slice %arg9[%dma_wait3A_48, %dma_wait3A_56, %dma_wait3A_57] : memref<2x512x16xf32, #tpu.memory_space<vmem>> -> memref<1x512x16xf32, #tpu.memory_space<vmem>>
    %dma_wait3A_59 = tpu.memref_squeeze %dma_wait3A_58 : memref<1x512x16xf32, #tpu.memory_space<vmem>> -> memref<512x16xf32, #tpu.memory_space<vmem>>
    %dma_wait3A_60 = arith.constant 0 : i32
    %dma_wait3A_61 = arith.constant 0 : i32
    %dma_wait3A_62 = tpu.memref_slice %arg5[%dma_wait3A_60, %dma_wait3A_61] : memref<6272x16xf32, #tpu.memory_space<hbm>> -> memref<512x16xf32, #tpu.memory_space<hbm>>
    tpu.wait_dma2 semaphore(%arg13 : memref<!tpu.dma_semaphore, #tpu.memory_space<semaphore_mem>>) src(%dma_wait3A_62 : memref<512x16xf32, #tpu.memory_space<hbm>>) dst(%dma_wait3A_59 : memref<512x16xf32, #tpu.memory_space<vmem>>)
    %barrier3A_63 = arith.constant 0 : index
    tpu.barrier barrier_id(%barrier3A_63)
    %mul3A_64 = arith.constant 6272 : i32
    %mul3A_65 = arith.muli %arg1, %mul3A_64 : i32
    %mul3A_66 = arith.constant 6272 : i32
    %mul3A_67 = arith.muli %arg1, %mul3A_66 : i32
    "tpu.region"() ({
      %run_scoped3A = tpu.sem_alloc : memref<!tpu.dma_semaphore, #tpu.memory_space<semaphore_mem>>
      %dma_start3A_68 = arith.constant 0 : i32
      %dma_start3A_69 = arith.constant 0 : i32
      %dma_start3A_70 = tpu.memref_slice %arg6[%arg0, %dma_start3A_68, %dma_start3A_69] : memref<2x100352x16xf32, #tpu.memory_space<hbm>> -> memref<1x100352x16xf32, #tpu.memory_space<hbm>>
      %dma_start3A_71 = tpu.memref_squeeze %dma_start3A_70 : memref<1x100352x16xf32, #tpu.memory_space<hbm>> -> memref<100352x16xf32, #tpu.memory_space<hbm>>
      %dma_start3A_72 = arith.constant 0 : i32
      %dma_start3A_73 = tpu.memref_slice %dma_start3A_71[%mul3A_67, %dma_start3A_72] : memref<100352x16xf32, #tpu.memory_space<hbm>> -> memref<6272x16xf32, #tpu.memory_space<hbm>>
      %dma_start3A_74 = arith.constant 0 : i32
      %dma_start3A_75 = tpu.memref_slice %arg10[%mul3A_65, %dma_start3A_74] : memref<100352x16xf32, #tpu.memory_space<vmem_shared>> -> memref<6272x16xf32, #tpu.memory_space<vmem_shared>>
      tpu.enqueue_dma source(%dma_start3A_75 : memref<6272x16xf32, #tpu.memory_space<vmem_shared>>) target(%dma_start3A_73 : memref<6272x16xf32, #tpu.memory_space<hbm>>) target_semaphore(%run_scoped3A : memref<!tpu.dma_semaphore, #tpu.memory_space<semaphore_mem>>)
      %dma_wait3A_76 = arith.constant 0 : i32
      %dma_wait3A_77 = arith.constant 0 : i32
      %dma_wait3A_78 = tpu.memref_slice %arg6[%arg0, %dma_wait3A_76, %dma_wait3A_77] : memref<2x100352x16xf32, #tpu.memory_space<hbm>> -> memref<1x100352x16xf32, #tpu.memory_space<hbm>>
      %dma_wait3A_79 = tpu.memref_squeeze %dma_wait3A_78 : memref<1x100352x16xf32, #tpu.memory_space<hbm>> -> memref<100352x16xf32, #tpu.memory_space<hbm>>
      %dma_wait3A_80 = arith.constant 0 : i32
      %dma_wait3A_81 = tpu.memref_slice %dma_wait3A_79[%mul3A_67, %dma_wait3A_80] : memref<100352x16xf32, #tpu.memory_space<hbm>> -> memref<6272x16xf32, #tpu.memory_space<hbm>>
      %dma_wait3A_82 = arith.constant 0 : i32
      %dma_wait3A_83 = tpu.memref_slice %arg10[%mul3A_65, %dma_wait3A_82] : memref<100352x16xf32, #tpu.memory_space<vmem_shared>> -> memref<6272x16xf32, #tpu.memory_space<vmem_shared>>
      tpu.wait_dma2 semaphore(%run_scoped3A : memref<!tpu.dma_semaphore, #tpu.memory_space<semaphore_mem>>) src(%dma_wait3A_83 : memref<6272x16xf32, #tpu.memory_space<vmem_shared>>) dst(%dma_wait3A_81 : memref<6272x16xf32, #tpu.memory_space<hbm>>)
      tpu.yield
    }) : () -> ()
    return
  }
}

</mosaic_0001>

<sc_bundles>
// kernel: _sc_layer1.3.cloned.1.call-start
scs
__scs_entry_jumppad:
0x0: {  	(pc) =	sbr.rel $0x88, $3  }
0x1: {  	(tag) =	ssettag $0x0;
	lr =	simm.s32 $0x1  }
0x2: {  	[smem:$0x3F9D] =	sst lr;
	_ =	strace $0xD0000000  }
0x3: {  	_ = 	snop  }
0x4: {  	_ = 	snop  }
0x5: {  	_ = 	snop  }
0x6: {  	_ = 	snop  }
0x7: {  	_ = 	snop  }
__scs_overlays_trampoline_lowered:
0x8: {  	[smem:$0x3FAC] =	sst s0  }
0x9: {  	[smem:$0x3FAD] =	sst s1  }
0xa: {  	[smem:$0x3FAE] =	sst s2  }
0xb: {  	[smem:$0x3FAF] =	sst s3  }
0xc: {  	[smem:$0x3FB0] =	sst s4  }
0xd: {  	[smem:$0x3FB1] =	sst s5  }
0xe: {  	[smem:$0x3FB2] =	sst s6  }
0xf: {  	[smem:$0x3FB3] =	sst s7  }
0x10: {  	[smem:$0x3FB4] =	sst s8  }
0x11: {  	[smem:$0x3FB5] =	sst s9;
	s0 =	simm.s32 @!p0 $0x0  }
0x12: {  	s1 =	sld [smem:$0x3F9B];
	s0 =	simm.s32 @p0 $0x1  }
0x13: {  	[smem:$0x3FB6] =	sst s0;
	s0 =	simm.s32 @!p1 $0x0  }
0x14: {  	s2 =	sld [smem:$0x3F9A];
	s0 =	simm.s32 @p1 $0x1  }
0x15: {  	[smem:$0x3FB7] =	sst s0;
	s0 =	simm.s32 @!p2 $0x0  }
0x16: {  	s3 =	sld [smem:$0x3FDB];
	s0 =	simm.s32 @p2 $0x1  }
0x17: {  	s4 =	simm.s32 $0x1BF5;
	[smem:$0x3FB9] =	sst s0  }
0x18: {  	s0 =	sld [smem:$0x3F9C];
	_ =	swait.ge [sflag:s4], $0x0  }
0x19: {  	s7 =	sld [smem:$0x3F9D]  }
0x1a: {  	s8 =	sadd.s32 $0xFFFFE003, lr  }
0x1b: {  	s9 =	sadd.s32 $0xFFFFFEF7, lr;
	s5 =	simm.s32 $0xFFFFFFFF;
	p2 =	slt.u32 s8, $0xFFFFF086  }
0x1c: {  	p1 =	slt.u32 s9, $0xF7A;
	s5 =	simm.s32 @!p2 $0x0  }
0x1d: {  	s5 =	simm.s32 @p1 $0x1;
	p0 =	seq.s32 s7, s2  }
0x1e: {  	s7 =	smul.u32 @!p0 $0xF7A, s2;
	p2 =	seq.s32 @!p0 s5, $0x0  }
0x1f: {  	s9 =	smul.u32 $0xF7A, s1;
	s8 =	simm.s32 @!p0 $0x1BF5;
	p2 =	por !p2, p0  }
0x20: {  	[sflag:s8] =	ssyncset.s32 @!p0 $0xFFFFF086;
	s6 =	sadd.s32 @!p0 s3, s7;
	s7 =	simm.s32 @!p0 $0x108  }
0x21: {  	s3 =	sadd.s32 s3, s9;
	s6 =	sadd.s32 @!p0 $0x88, s6;
	s7 =	simm.s32 @p2 $0x1082  }
0x22: {  	[simem:s7], [sflag:s8] =	dma.local @!p0 [hbm:s6], $0xF7A  }
0x23: {  	s9 =	sor.u32 $0xD0000000, s2;
	s6 =	simm.s32 $0x108;
	_ =	swait.ge @!p0 [sflag:s8], $0x0  }
0x24: {  	s3 =	sadd.s32 $0x88, s3;
	s6 =	simm.s32 @!p1 $0x1082;
	[sflag:s4] =	ssyncset.s32 $0xFFFFF086  }
0x25: {  	[simem:s6], [sflag:s4] =	dma.local [hbm:s3], $0xF7A  }
0x26: {  	[smem:$0x3F9D] =	sst s1;
	(tag) =	ssettag s2;
	_ =	strace s9  }
0x27: {  	s1 =	sld [smem:$0x3FAD]  }
0x28: {  	s2 =	sld [smem:$0x3FAE]  }
0x29: {  	s4 =	sld [smem:$0x3FB0]  }
0x2a: {  	p0 =	seq.s32 s5, $0x0;
	s5 =	sld [smem:$0x3FB1]  }
0x2b: {  	s6 =	sld [smem:$0x3FB2]  }
0x2c: {  	s7 =	sld [smem:$0x3FB3]  }
0x2d: {  	s3 =	simm.s32 $0x108;
	s8 =	sld [smem:$0x3FB4]  }
0x2e: {  	s3 =	simm.s32 @!p0 $0x1082;
	s9 =	sld [smem:$0x3FB5]  }
0x2f: {  	lr =	sadd.s32 s0, s3;
	s0 =	sld [smem:$0x3FAC]  }
0x30: {  	s3 =	sld [smem:$0x3FAF]  }
0x31: {  	[smem:$0x3FB8] =	sst s10  }
0x32: {  	s10 =	sld [smem:$0x3FB6];
	_ =	sdelay $0x3  }
0x33: {  	p0 =	seq.s32 s10, $0x1;
	s10 =	sld [smem:$0x3FB8];
	_ =	sdelay $0x3  }
0x34: {  	[smem:$0x3FB8] =	sst s10  }
0x35: {  	s10 =	sld [smem:$0x3FB7];
	_ =	sdelay $0x3  }
0x36: {  	p1 =	seq.s32 s10, $0x1;
	s10 =	sld [smem:$0x3FB8];
	_ =	sdelay $0x3  }
0x37: {  	[smem:$0x3FB8] =	sst s10  }
0x38: {  	s10 =	sld [smem:$0x3FB9]  }
0x39: {  	_ = 	snop;
	(pc) =	sbr.ind lr, $3  }
0x3a: {  	_ = 	snop  }
0x3b: {  	_ = 	snop  }
0x3c: {  	p2 =	seq.s32 s10, $0x1;
	s10 =	sld [smem:$0x3FB8]  }
0x3d: {  	_ =	shalt  }
0x3e: {  	_ =	shalt  }
0x3f: {  	_ =	shalt  }
0x40: {  	_ =	shalt  }
0x41: {  	_ =	shalt  }
0x42: {  	_ =	shalt  }
0x43: {  	_ =	shalt  }
0x44: {  	_ =	shalt  }
0x45: {  	_ =	shalt  }
0x46: {  	_ =	shalt  }
0x47: {  	_ =	shalt  }
0x48: {  	_ =	shalt  }
0x49: {  	_ =	shalt  }
0x4a: {  	_ =	shalt  }
0x4b: {  	_ =	shalt  }
0x4c: {  	_ =	shalt  }
0x4d: {  	_ =	shalt  }
0x4e: {  	_ =	shalt  }
0x4f: {  	_ =	shalt  }
0x50: {  	_ =	shalt  }
0x51: {  	_ =	shalt  }
0x52: {  	_ =	shalt  }
0x53: {  	_ =	shalt  }
0x54: {  	_ =	shalt  }
0x55: {  	_ =	shalt  }
0x56: {  	_ =	shalt  }
0x57: {  	_ =	shalt  }
0x58: {  	_ =	shalt  }
0x59: {  	_ =	shalt  }
0x5a: {  	_ =	shalt  }
0x5b: {  	_ =	shalt  }
0x5c: {  	_ =	shalt  }
0x5d: {  	_ =	shalt  }
0x5e: {  	_ =	shalt  }
0x5f: {  	_ =	shalt  }
0x60: {  	_ =	shalt  }
0x61: {  	_ =	shalt  }
0x62: {  	_ =	shalt  }
0x63: {  	_ =	shalt  }
0x64: {  	_ =	shalt  }
0x65: {  	_ =	shalt  }
0x66: {  	_ =	shalt  }
0x67: {  	_ =	shalt  }
0x68: {  	_ =	shalt  }
0x69: {  	_ =	shalt  }
0x6a: {  	_ =	shalt  }
0x6b: {  	_ =	shalt  }
0x6c: {  	_ =	shalt  }
0x6d: {  	_ =	shalt  }
0x6e: {  	_ =	shalt  }
0x6f: {  	_ =	shalt  }
0x70: {  	_ =	shalt  }
0x71: {  	_ =	shalt  }
0x72: {  	_ =	shalt  }
0x73: {  	_ =	shalt  }
0x74: {  	_ =	shalt  }
0x75: {  	_ =	shalt  }
0x76: {  	_ =	shalt  }
0x77: {  	_ =	shalt  }
0x78: {  	_ =	shalt  }
0x79: {  	_ =	shalt  }
0x7a: {  	_ =	shalt  }
0x7b: {  	_ =	shalt  }
0x7c: {  	_ =	shalt  }
0x7d: {  	_ =	shalt  }
0x7e: {  	_ =	shalt  }
0x7f: {  	_ =	shalt  }
0x80: {  	_ =	shalt  }
0x81: {  	_ =	shalt  }
0x82: {  	_ =	shalt  }
0x83: {  	_ =	shalt  }
0x84: {  	_ =	shalt  }
0x85: {  	_ =	shalt  }
0x86: {  	_ =	shalt  }
0x87: {  	_ =	shalt  }
.Lfunc_end0:
.L_simem_size_0:
called_computation_lowered:
.L_overlay_start_0:
0x88: {  	s2 =	sld [smem:$0x3FD9]  }
0x89: {  	s3 =	sld [smem:$0x3FFE];
	_ =	sdelay $0x1  }
0x8a: {  	s1 =	srdreg.scid  }
0x8b: {  	s0 =	sand.u32 $0x1, s1  }
0x8c: {  	s17 =	sshll.u32 s0, $0xA;
	s2 =	sadd.s32 s3, s2  }
0x8d: {  	s2 =	sadd.s32 s2, s17  }
0x8e: {  	[smem:$0x3FC4] =	sst s2  }
0x8f: {  	_ = 	snop  }
0x90: {  	s2 =	sld [smem:$0x3FC8]  }
0x91: {  	s18 =	sld [smem:$0x3FC7]  }
0x92: {  	s4 =	sld [smem:$0x3FD0];
	(tm) =	ssettm $0x1  }
0x93: {  	s5 =	sld [smem:$0x3FFB];
	_ =	sdelay $0x3  }
0x94: {  	_ =	strace s5  }
0x95: {  	s5 =	sld [smem:$0x3FFC];
	_ =	sdelay $0x3  }
0x96: {  	_ =	strace s5  }
0x97: {  	s5 =	sld [smem:$0x3FFD];
	_ =	sdelay $0x3  }
0x98: {  	_ =	strace s5  }
0x99: {  	_ =	strace $0x8FFFFFFF  }
0x9a: {  	s19 =	sld [smem:$0x3FDB];
	_ =	sdelay $0x1  }
0x9b: {  	s6 =	simm.s32 $_scs_section_size  }
0x9c: {  	s7 =	simm.s32 $_size__tile_overlayer_lowered;
	s8 =	simm.s32 $_tile_overlayer_lowered  }
0x9d: {  	s22 =	simm.s32 $0x1BFF;
	s21 =	sshll.u32 s8, $0x1;
	s5 =	sadd.s32 s6, s19  }
0x9e: {  	s9 =	simm.s32 $0x0;
	s20 =	sshll.u32 s7, $0x1;
	s7 =	sadd.s32 s21, s5  }
0x9f: {  	[timem:s9], [sflag:s22] =	dma.local [hbm:s7], s20  }
0xa0: {  	_ =	swait.ge [sflag:s22], s20  }
0xa1: {  	s6 =	ssub.s32 $0x0, s20;
	[sflag:s22] =	ssyncset.done $0x0  }
0xa2: {  	[sflag:s22] =	ssyncadd.s32 s6;
	_ =	sdelay $0x1  }
0xa3: {  	s23 =	simm.s32 $0x1B8B  }
0xa4: {  	_ =	swait.ge [sflag:s23], $0x1  }
0xa5: {  	[sflag:s23] =	ssyncset.done $0x0  }
0xa6: {  	s25 =	simm.s32 $0x1B8E;
	s24 =	sld [smem:$0x3FFE];
	[sflag:s23] =	ssyncadd.s32 $0xFFFFFFFF  }
0xa7: {  	s26 =	simm.s32 $execute0_lowered;
	[smem:$0x3FD2] =	sst s25  }
0xa8: {  	s7 =	sshll.u32 s26, $0x1;
	_ =	strace $0x80000046;
	[dreg:$0x1] =	wrdreg $0xFFFFFFFF  }
0xa9: {  	s28 =	simm.s32 $_size_execute0_lowered;
	s5 =	sadd.s32 s5, s7;
	[dreg:$0x0] =	wrdreg $0x0  }
0xaa: {  	s7 =	sshll.u32 s28, $0x1;
	[dreg:$0x2] =	wrdreg s5  }
0xab: {  	[dreg:$0x3] =	wrdreg s7  }
0xac: {  	[dreg:$0x4] =	wrdreg $0xC0  }
0xad: {  	_ =	task [dreg:s9], $0x5FFFF  }
0xae: {  	[dreg:$0x1] =	wrdreg $0xFFFFFFFF  }
0xaf: {  	[dreg:$0x0] =	wrdreg $0x60  }
0xb0: {  	[dreg:$0x2] =	wrdreg s24  }
0xb1: {  	[dreg:$0x3] =	wrdreg s2  }
0xb2: {  	[dreg:$0x4] =	wrdreg s18  }
0xb3: {  	[dreg:$0x5] =	wrdreg s4  }
0xb4: {  	[dreg:$0x6] =	wrdreg $0x48000  }
0xb5: {  	[dreg:$0x7] =	wrdreg $0x9  }
0xb6: {  	_ =	task.clear_ibuf [dreg:s9], $0x8FFFF;
	_ =	strace $0x90000046  }
0xb7: {  	s29 =	simm.s32 $0x9;
	_ =	strace $0x80000048  }
0xb8: {  	_ =	swait.ge [sflag:s29], $0x1  }
0xb9: {  	[sflag:s29] =	ssyncadd.s32 $0xFFFFFFFF  }
0xba: {  	_ =	strace $0x90000048  }
0xbb: {  	_ =	sfence  }
0xbc: {  	s30 =	sld [smem:$0x0];
	_ =	sdelay $0x2  }
0xbd: {  	s31 =	sshll.u32 s1, $0xD;
	s1 =	sshrl.u32 s1, $0x2  }
0xbe: {  	s3 =	sand.u32 $0x4000, s31;
	s1 =	sadd.s32 s1, s30  }
0xbf: {  	s0 =	sor.u32 s3, s0;
	s1 =	sshll.u32 s1, $0x11  }
0xc0: {  	s0 =	sor.u32 s1, s0  }
0xc1: {  	s0 =	sadd.s32 $0x8F2B, s0  }
0xc2: {  	[sflag:s0] =	ssyncadd.remote.s32 $0x1  }
0xc3: {  	_ =	sfence.sel $0xFFFF  }
0xc4: {  	[dreg:$0x0] =	wrdreg $0xFFFFFFFF;
	(pc) =	sbr.abs _section_cstart, $3  }
0xc5: {  	[dreg:$0x1] =	wrdreg $0xFFFFFFFF  }
0xc6: {  	_ =	task.clear_ibuf [dreg:s9], $0x2FFFF;
	_ =	strace $0x9FFFFFFF  }
0xc7: {  	(tm) =	ssettm $0x7FFFFFFF  }
tec
execute0_lowered:
.L_overlay_start_1:
0x0: {  	(tag) =	ssettag $0x1  }
0x1: {  	s0 =	rddreg [dreg:$0x0]  }
0x2: {  	s3 =	rddreg [dreg:$0x1]  }
0x3: {  	s10 =	rddreg [dreg:$0x2]  }
0x4: {  	s9 =	rddreg [dreg:$0x3]  }
0x5: {  	s1 =	rddreg [dreg:$0x4];
	s2 =	simm.s32 $0x0;
	s5 =	srdreg.scid  }
0x6: {  	s14 =	stileid.u32;
	s16 =	simm.s32 $0x80;
	s17 =	simm.s32 $0x2  }
0x7: {  	s18 =	simm.s32 $0x3;
	s20 =	simm.s32 $0x2800;
	s22 =	simm.s32 $0x3000  }
0x8: {  	s28 =	simm.s32 $0x4000;
	[smem:$0x7FF] =	sst s2;
	s4 =	sadd.s32 $0x18B800, s0  }
0x9: {  	s7 =	sand.u32 $0x1, s5;
	s0 =	sadd.s32 $0x600, s0;
	s11 =	smul.u32 $0x18800, s14  }
0xa: {  	s29 =	smul.u32 $0xC400, s14;
	_ =	strace $0x80000047;
	[dreg:$0x6] =	wrdreg s0  }
0xb: {  	s25 =	ssub.s32 $0x2, s7;
	s8 =	sshll.u32 s7, $0x4;
	s12 =	smul.u32 $0xC4000, s7  }
0xc: {  	s30 =	smul.u32 $0x31000, s7;
	s6 =	sshrl.u32 s25, $0x1;
	s26 =	sor.u32 s14, s8  }
0xd: {  	s13 =	sadd.s32 s11, s1;
	s14 =	sshll.u32 s14, $0x6;
	s19 =	sshrl.u32 s11, $0x3  }
0xe: {  	s0 =	ssub.s32 s25, s6;
	s15 =	smul.u32 $0x1880, s26;
	s6 =	sor.u32 $0x1C04, s14  }
0xf: {  	s12 =	sadd.s32 s29, s12;
	s14 =	sadd.s32 s9, s30;
	s25 =	simm.s32 $0x3800  }
0x10: {  	s12 =	sor.u32 $0x200, s12;
	s9 =	smax.u32 s0, $0x1;
	s24 =	sadd.s32 s19, s14  }
0x11: {  	s7 =	sadd.s32 s3, s15;
	s8 =	sadd.s32 s10, s15;
	s31 =	sshrl.u32 s12, $0x3  }
0x12: {  	s12 =	sshrl.u32 s13, $0x3;
	s13 =	simm.s32 $0x4;
	s15 =	simm.s32 $0x1  }
0x13: {  	s10 =	sadd.s32 s31, s10;
	s11 =	sadd.s32 s31, s3;
	s3 =	simm.s32 $0x0  }
.LBB2_1:
0x14: {  	s0 =	rddreg [dreg:$0x6]  }
0x15: {  	[spmem:s12], [sflag:s6] =	dma.local [hbm:s0], $0x3100  }
0x16: {  	_ =	swait.ge [sflag:s13], $0x3100  }
0x17: {  	[sflag:s13] =	ssyncset.done $0x0  }
0x18: {  	p0 =	por $0x1, $0x1;
	[sflag:s13] =	ssyncadd.s32 $0xFFFFCF00  }
0x19: {  	p0 =	por p0, p0;
	[bflag:$0x0] =	sbarrier.arrive $0xFFFF  }
0x1a: {  	[tilespmem:s2], [sflag:$0x1] =	stream.linear.gather [hbm4b:s7+s2], $0x200, $0x38;
	[tilespmem:$0x1D000] =	vst v63  }
0x1b: {  	s21 =	simm.s32 $0x400;
	s14 =	simm.s32 @!p0 $0x3  }
0x1c: {  	[tilespmem:s21], [sflag:$0x1] =	stream.linear.gather [hbm4b:s8+s2], $0x200, $0x38;
	[tilespmem:$0x1D000] =	vst v63  }
0x1d: {  	_ =	swait.ge @!p0 [sflag:s14], $0x2000  }
0x1e: {  	[sflag:s14] =	ssyncset.done @!p0 $0x0  }
0x1f: {  	[sflag:s14] =	ssyncadd.s32 @!p0 $0xFFFFE000  }
0x20: {  	_ =	swait.ge [sflag:s15], $0x200  }
0x21: {  	[sflag:s15] =	ssyncset.done $0x0  }
0x22: {  	[sflag:s15] =	ssyncadd.s32 $0xFFFFFE00  }
0x23: {  	s23 =	sand.u32 $0x1, s2;
	_ =	swait.ge [sflag:s15], $0x200  }
0x24: {  	s19 =	sshll.u32 s23, $0x9;
	[sflag:s15] =	ssyncset.done $0x0  }
0x25: {  	s21 =	sxor.u32 $0x200, s19;
	[sflag:s15] =	ssyncadd.s32 $0xFFFFFE00  }
0x26: {  	[tilespmem:s21], [sflag:$0x1] =	stream.linear.gather [hbm4b:s11+s2], $0x200, $0x38;
	[tilespmem:$0x1D000] =	vst v63  }
0x27: {  	s26 =	sxor.u32 $0x600, s19;
	s14 =	sshll.u32 s23, $0xD  }
0x28: {  	[tilespmem:s26], [sflag:$0x1] =	stream.linear.gather [hbm4b:s10+s2], $0x200, $0x38;
	[tilespmem:$0x1D000] =	vst v63  }
0x29: {  	s30 =	sor.u32 $0x800, s14  }
0x2a: {  	[tilespmem:s30], [sflag:$0x2] =	stream.indirect.gather [hbm4b:s4+s16], $0x10, s19, s16, $0xb8;
	[tilespmem:$0x1D000] =	vst v63  }
0x2b: {  	s23 =	sor.u32 $0x1000, s14;
	s26 =	sor.u32 $0x80, s19  }
0x2c: {  	[tilespmem:s23], [sflag:$0x2] =	stream.indirect.gather [hbm4b:s4+s16], $0x10, s26, s16, $0xb8;
	[tilespmem:$0x1D000] =	vst v63  }
0x2d: {  	s31 =	sor.u32 $0x100, s19;
	s29 =	sor.u32 $0x1800, s14  }
0x2e: {  	[tilespmem:s29], [sflag:$0x2] =	stream.indirect.gather [hbm4b:s4+s16], $0x10, s31, s16, $0xb8;
	[tilespmem:$0x1D000] =	vst v63  }
0x2f: {  	s0 =	sor.u32 $0x180, s19;
	s26 =	sadd.s32 $0x2000, s14  }
0x30: {  	[tilespmem:s26], [sflag:$0x2] =	stream.indirect.gather [hbm4b:s4+s16], $0x10, s0, s16, $0xb8;
	[tilespmem:$0x1D000] =	vst v63  }
0x31: {  	_ =	swait.ge [sflag:s17], $0x800  }
0x32: {  	[sflag:s17] =	ssyncset.done $0x0  }
0x33: {  	[sflag:s17] =	ssyncadd.s32 $0xFFFFF800  }
0x34: {  	_ =	swait.ge [sflag:s17], $0x800  }
0x35: {  	[sflag:s17] =	ssyncset.done $0x0  }
0x36: {  	[sflag:s17] =	ssyncadd.s32 $0xFFFFF800  }
0x37: {  	_ =	swait.ge [sflag:s17], $0x800  }
0x38: {  	[sflag:s17] =	ssyncset.done $0x0  }
0x39: {  	[sflag:s17] =	ssyncadd.s32 $0xFFFFF800  }
0x3a: {  	_ =	swait.ge [sflag:s17], $0x800  }
0x3b: {  	[sflag:s17] =	ssyncset.done $0x0  }
0x3c: {  	p6 =	por $0x1, $0x1;
	s5 =	sor.u32 $0x400, s19;
	[sflag:s17] =	ssyncadd.s32 $0xFFFFF800  }
0x3d: {  	[spmem:s1] =	stream.indirect.scatter.add.f32 [tilespmem:s30], [sflag:$0x3], $0x10, s5, s16, $0xb8;
	[tilespmem:$0x1D000] =	vst v63  }
0x3e: {  	p0 =	por p6, p6;
	s30 =	sor.u32 $0x480, s19  }
0x3f: {  	[spmem:s1] =	stream.indirect.scatter.add.f32 [tilespmem:s23], [sflag:$0x3], $0x10, s30, s16, $0xb8;
	[tilespmem:$0x1D000] =	vst v63  }
0x40: {  	s21 =	simm.s32 $0x1;
	s14 =	sadd.s32 $0x40, s10;
	s31 =	sor.u32 $0x500, s19  }
0x41: {  	[spmem:s1] =	stream.indirect.scatter.add.f32 [tilespmem:s29], [sflag:$0x3], $0x10, s31, s16, $0xb8;
	[tilespmem:$0x1D000] =	vst v63  }
0x42: {  	s23 =	simm.s32 $0x2;
	s29 =	sor.u32 $0x580, s19;
	s19 =	sadd.s32 $0x40, s11  }
.LBB2_2:
0x43: {  	[spmem:s1] =	stream.indirect.scatter.add.f32 [tilespmem:s26], [sflag:$0x3], $0x10, s29, s16, $0xb8;
	[tilespmem:$0x1D000] =	vst v63  }
0x44: {  	s26 =	smov.u32 s23  }
0x45: {  	s23 =	sadd.s32 $0x1, s23;
	s29 =	simm.s32 @!p0 $0x3;
	p2 =	slt.u32 s26, $0x2  }
0x46: {  	p1 =	sne.s32 s23, $0x61;
	_ =	swait.ge @!p0 [sflag:s29], $0x2000  }
0x47: {  	[sflag:s29] =	ssyncset.done @!p0 $0x0  }
0x48: {  	[sflag:s29] =	ssyncadd.s32 @!p0 $0xFFFFE000;
	p0 =	por p2, p2  }
0x49: {  	_ =	swait.ge [sflag:s15], $0x200  }
0x4a: {  	[sflag:s15] =	ssyncset.done $0x0  }
0x4b: {  	[sflag:s15] =	ssyncadd.s32 $0xFFFFFE00  }
0x4c: {  	s30 =	sand.u32 $0x1, s21;
	s21 =	smov.u32 s26;
	_ =	swait.ge [sflag:s15], $0x200  }
0x4d: {  	s26 =	sshll.u32 s30, $0xD;
	s29 =	sshll.u32 s30, $0x9;
	[sflag:s15] =	ssyncset.done $0x0  }
0x4e: {  	s30 =	sxor.u32 $0x200, s29;
	[sflag:s15] =	ssyncadd.s32 $0xFFFFFE00  }
0x4f: {  	[tilespmem:s30], [sflag:$0x1] =	stream.linear.gather [hbm4b:s19+s2], $0x200, $0x38;
	[tilespmem:$0x1D000] =	vst v63  }
0x50: {  	s30 =	sxor.u32 $0x600, s29  }
0x51: {  	[tilespmem:s30], [sflag:$0x1] =	stream.linear.gather [hbm4b:s14+s2], $0x200, $0x38;
	[tilespmem:$0x1D000] =	vst v63  }
0x52: {  	s30 =	sor.u32 $0x800, s26  }
0x53: {  	[tilespmem:s30], [sflag:$0x2] =	stream.indirect.gather [hbm4b:s4+s16], $0x10, s29, s16, $0xb8;
	[tilespmem:$0x1D000] =	vst v63  }
0x54: {  	s31 =	sor.u32 $0x1000, s26;
	s0 =	sor.u32 $0x80, s29  }
0x55: {  	[tilespmem:s31], [sflag:$0x2] =	stream.indirect.gather [hbm4b:s4+s16], $0x10, s0, s16, $0xb8;
	[tilespmem:$0x1D000] =	vst v63  }
0x56: {  	s5 =	sor.u32 $0x100, s29;
	s0 =	sor.u32 $0x1800, s26  }
0x57: {  	[tilespmem:s0], [sflag:$0x2] =	stream.indirect.gather [hbm4b:s4+s16], $0x10, s5, s16, $0xb8;
	[tilespmem:$0x1D000] =	vst v63  }
0x58: {  	s26 =	sadd.s32 $0x2000, s26;
	s5 =	sor.u32 $0x180, s29  }
0x59: {  	[tilespmem:s26], [sflag:$0x2] =	stream.indirect.gather [hbm4b:s4+s16], $0x10, s5, s16, $0xb8;
	[tilespmem:$0x1D000] =	vst v63  }
0x5a: {  	_ =	swait.ge [sflag:s17], $0x800  }
0x5b: {  	[sflag:s17] =	ssyncset.done $0x0  }
0x5c: {  	[sflag:s17] =	ssyncadd.s32 $0xFFFFF800  }
0x5d: {  	_ =	swait.ge [sflag:s17], $0x800  }
0x5e: {  	[sflag:s17] =	ssyncset.done $0x0  }
0x5f: {  	[sflag:s17] =	ssyncadd.s32 $0xFFFFF800  }
0x60: {  	_ =	swait.ge [sflag:s17], $0x800  }
0x61: {  	[sflag:s17] =	ssyncset.done $0x0  }
0x62: {  	[sflag:s17] =	ssyncadd.s32 $0xFFFFF800  }
0x63: {  	_ =	swait.ge [sflag:s17], $0x800  }
0x64: {  	[sflag:s17] =	ssyncset.done $0x0  }
0x65: {  	s5 =	sor.u32 $0x400, s29;
	[sflag:s17] =	ssyncadd.s32 $0xFFFFF800  }
0x66: {  	[spmem:s1] =	stream.indirect.scatter.add.f32 [tilespmem:s30], [sflag:$0x3], $0x10, s5, s16, $0xb8;
	[tilespmem:$0x1D000] =	vst v63  }
.Ltmp0:
0x67: {  	s5 =	sor.u32 $0x480, s29;
	(pc) =	sbr.rel @p1 .LBB2_2-.Ltmp0, $4  }
0x68: {  	[spmem:s1] =	stream.indirect.scatter.add.f32 [tilespmem:s31], [sflag:$0x3], $0x10, s5, s16, $0xb8;
	[tilespmem:$0x1D000] =	vst v63  }
0x69: {  	s5 =	sor.u32 $0x500, s29  }
0x6a: {  	[spmem:s1] =	stream.indirect.scatter.add.f32 [tilespmem:s0], [sflag:$0x3], $0x10, s5, s16, $0xb8;
	[tilespmem:$0x1D000] =	vst v63  }
0x6b: {  	s19 =	sadd.s32 $0x40, s19;
	s14 =	sadd.s32 $0x40, s14;
	s29 =	sor.u32 $0x580, s29  }
0x6c: {  	[spmem:s1] =	stream.indirect.scatter.add.f32 [tilespmem:s26], [sflag:$0x3], $0x10, s29, s16, $0xb8;
	[tilespmem:$0x1D000] =	vst v63  }
0x6d: {  	s0 =	simm.s32 @!p0 $0x3  }
0x6e: {  	_ =	swait.ge @!p0 [sflag:s0], $0x2000  }
0x6f: {  	[sflag:s0] =	ssyncset.done @!p0 $0x0  }
0x70: {  	[sflag:s0] =	ssyncadd.s32 @!p0 $0xFFFFE000  }
0x71: {  	_ =	swait.ge [sflag:s15], $0x200  }
0x72: {  	[sflag:s15] =	ssyncset.done $0x0  }
0x73: {  	[sflag:s15] =	ssyncadd.s32 $0xFFFFFE00  }
0x74: {  	s23 =	sand.u32 $0x1, s21;
	_ =	swait.ge [sflag:s15], $0x200  }
0x75: {  	s5 =	sshll.u32 s23, $0x9;
	[sflag:s15] =	ssyncset.done $0x0  }
0x76: {  	s26 =	sxor.u32 $0x200, s5;
	[sflag:s15] =	ssyncadd.s32 $0xFFFFFE00  }
0x77: {  	[tilespmem:s26], [sflag:$0x1] =	stream.linear.gather [hbm4b:s19+s2], $0x200, $0x38;
	[tilespmem:$0x1D000] =	vst v63  }
0x78: {  	s29 =	sxor.u32 $0x600, s5;
	s0 =	sshll.u32 s23, $0xD  }
0x79: {  	[tilespmem:s29], [sflag:$0x1] =	stream.linear.gather [hbm4b:s14+s2], $0x200, $0x38;
	[tilespmem:$0x1D000] =	vst v63  }
0x7a: {  	s30 =	sor.u32 $0x800, s0  }
0x7b: {  	[tilespmem:s30], [sflag:$0x2] =	stream.indirect.gather [hbm4b:s4+s16], $0x10, s5, s16, $0xb8;
	[tilespmem:$0x1D000] =	vst v63  }
0x7c: {  	s23 =	sor.u32 $0x80, s5;
	s31 =	sor.u32 $0x1000, s0  }
0x7d: {  	[tilespmem:s31], [sflag:$0x2] =	stream.indirect.gather [hbm4b:s4+s16], $0x10, s23, s16, $0xb8;
	[tilespmem:$0x1D000] =	vst v63  }
0x7e: {  	s21 =	sor.u32 $0x1800, s0;
	s23 =	sor.u32 $0x100, s5  }
0x7f: {  	[tilespmem:s21], [sflag:$0x2] =	stream.indirect.gather [hbm4b:s4+s16], $0x10, s23, s16, $0xb8;
	[tilespmem:$0x1D000] =	vst v63  }
0x80: {  	s0 =	sadd.s32 $0x2000, s0;
	s26 =	sor.u32 $0x180, s5  }
0x81: {  	[tilespmem:s0], [sflag:$0x2] =	stream.indirect.gather [hbm4b:s4+s16], $0x10, s26, s16, $0xb8;
	[tilespmem:$0x1D000] =	vst v63  }
0x82: {  	_ =	swait.ge [sflag:s17], $0x800  }
0x83: {  	[sflag:s17] =	ssyncset.done $0x0  }
0x84: {  	[sflag:s17] =	ssyncadd.s32 $0xFFFFF800  }
0x85: {  	_ =	swait.ge [sflag:s17], $0x800  }
0x86: {  	[sflag:s17] =	ssyncset.done $0x0  }
0x87: {  	[sflag:s17] =	ssyncadd.s32 $0xFFFFF800  }
0x88: {  	_ =	swait.ge [sflag:s17], $0x800  }
0x89: {  	[sflag:s17] =	ssyncset.done $0x0  }
0x8a: {  	[sflag:s17] =	ssyncadd.s32 $0xFFFFF800  }
0x8b: {  	_ =	swait.ge [sflag:s17], $0x800  }
0x8c: {  	[sflag:s17] =	ssyncset.done $0x0  }
0x8d: {  	s29 =	sor.u32 $0x400, s5;
	[sflag:s17] =	ssyncadd.s32 $0xFFFFF800  }
0x8e: {  	[spmem:s1] =	stream.indirect.scatter.add.f32 [tilespmem:s30], [sflag:$0x3], $0x10, s29, s16, $0xb8;
	[tilespmem:$0x1D000] =	vst v63  }
0x8f: {  	s30 =	sor.u32 $0x480, s5  }
0x90: {  	[spmem:s1] =	stream.indirect.scatter.add.f32 [tilespmem:s31], [sflag:$0x3], $0x10, s30, s16, $0xb8;
	[tilespmem:$0x1D000] =	vst v63  }
0x91: {  	s31 =	sor.u32 $0x500, s5  }
0x92: {  	[spmem:s1] =	stream.indirect.scatter.add.f32 [tilespmem:s21], [sflag:$0x3], $0x10, s31, s16, $0xb8;
	[tilespmem:$0x1D000] =	vst v63  }
0x93: {  	s5 =	sor.u32 $0x580, s5  }
0x94: {  	[spmem:s1] =	stream.indirect.scatter.add.f32 [tilespmem:s0], [sflag:$0x3], $0x10, s5, s16, $0xb8;
	[tilespmem:$0x1D000] =	vst v63  }
0x95: {  	_ =	swait.ge [sflag:s18], $0x2000  }
0x96: {  	[sflag:s18] =	ssyncset.done $0x0  }
0x97: {  	[sflag:s18] =	ssyncadd.s32 $0xFFFFE000  }
0x98: {  	_ =	swait.ge [sflag:s15], $0x200  }
0x99: {  	[sflag:s15] =	ssyncset.done $0x0  }
0x9a: {  	[sflag:s15] =	ssyncadd.s32 $0xFFFFFE00  }
0x9b: {  	_ =	swait.ge [sflag:s15], $0x200  }
0x9c: {  	[sflag:s15] =	ssyncset.done $0x0  }
0x9d: {  	s14 =	simm.s32 $0x200;
	[sflag:s15] =	ssyncadd.s32 $0xFFFFFE00  }
0x9e: {  	[tilespmem:s20], [sflag:$0x2] =	stream.indirect.gather [hbm4b:s4+s16], $0x10, s14, s16, $0xb8;
	[tilespmem:$0x1D000] =	vst v63  }
0x9f: {  	s19 =	simm.s32 $0x280  }
0xa0: {  	[tilespmem:s22], [sflag:$0x2] =	stream.indirect.gather [hbm4b:s4+s16], $0x10, s19, s16, $0xb8;
	[tilespmem:$0x1D000] =	vst v63  }
0xa1: {  	s21 =	simm.s32 $0x300  }
0xa2: {  	[tilespmem:s25], [sflag:$0x2] =	stream.indirect.gather [hbm4b:s4+s16], $0x10, s21, s16, $0xb8;
	[tilespmem:$0x1D000] =	vst v63  }
0xa3: {  	s23 =	simm.s32 $0x380  }
0xa4: {  	[tilespmem:s28], [sflag:$0x2] =	stream.indirect.gather [hbm4b:s4+s16], $0x10, s23, s16, $0xb8;
	[tilespmem:$0x1D000] =	vst v63  }
0xa5: {  	_ =	swait.ge [sflag:s17], $0x800  }
0xa6: {  	[sflag:s17] =	ssyncset.done $0x0  }
0xa7: {  	[sflag:s17] =	ssyncadd.s32 $0xFFFFF800  }
0xa8: {  	_ =	swait.ge [sflag:s17], $0x800  }
0xa9: {  	[sflag:s17] =	ssyncset.done $0x0  }
0xaa: {  	[sflag:s17] =	ssyncadd.s32 $0xFFFFF800  }
0xab: {  	_ =	swait.ge [sflag:s17], $0x800  }
0xac: {  	[sflag:s17] =	ssyncset.done $0x0  }
0xad: {  	[sflag:s17] =	ssyncadd.s32 $0xFFFFF800  }
0xae: {  	_ =	swait.ge [sflag:s17], $0x800  }
0xaf: {  	[sflag:s17] =	ssyncset.done $0x0  }
0xb0: {  	s26 =	simm.s32 $0x600;
	[sflag:s17] =	ssyncadd.s32 $0xFFFFF800  }
0xb1: {  	[spmem:s1] =	stream.indirect.scatter.add.f32 [tilespmem:s20], [sflag:$0x3], $0x10, s26, s16, $0xb8;
	[tilespmem:$0x1D000] =	vst v63  }
0xb2: {  	s29 =	simm.s32 $0x680  }
0xb3: {  	[spmem:s1] =	stream.indirect.scatter.add.f32 [tilespmem:s22], [sflag:$0x3], $0x10, s29, s16, $0xb8;
	[tilespmem:$0x1D000] =	vst v63  }
0xb4: {  	s30 =	simm.s32 $0x700  }
0xb5: {  	[spmem:s1] =	stream.indirect.scatter.add.f32 [tilespmem:s25], [sflag:$0x3], $0x10, s30, s16, $0xb8;
	[tilespmem:$0x1D000] =	vst v63  }
0xb6: {  	s31 =	simm.s32 $0x780  }
0xb7: {  	[spmem:s1] =	stream.indirect.scatter.add.f32 [tilespmem:s28], [sflag:$0x3], $0x10, s31, s16, $0xb8;
	[tilespmem:$0x1D000] =	vst v63  }
0xb8: {  	_ =	swait.ge [sflag:s18], $0x2000  }
0xb9: {  	[sflag:s18] =	ssyncset.done $0x0  }
0xba: {  	[sflag:s18] =	ssyncadd.s32 $0xFFFFE000  }
0xbb: {  	_ =	swait.ge [sflag:s18], $0x2000  }
0xbc: {  	s3 =	sadd.s32 $0x1, s3;
	[sflag:s18] =	ssyncset.done $0x0  }
0xbd: {  	p0 =	sne.s32 s3, s9;
	[sflag:s18] =	ssyncadd.s32 $0xFFFFE000  }
.Ltmp1:
0xbe: {  	[bflag:$0x0] =	sbarrier.arrive $0xFFFF;
	(pc) =	sbr.rel @p0 .LBB2_1-.Ltmp1, $4  }
0xbf: {  	[hbm:s24], [sflag:s6] =	dma.local [spmem:s12], $0x3100  }
0xc0: {  	_ =	swait.ge [sflag:s13], $0x3100  }
0xc1: {  	[sflag:s13] =	ssyncset.done $0x0  }
0xc2: {  	[sflag:s13] =	ssyncadd.s32 $0xFFFFCF00  }
0xc3: {  	_ =	sfence.sel $0x180000  }
0xc4: {  	[bflag:$0x0] =	sbarrier.arrive $0xFFFF  }
0xc5: {  	_ =	strace $0x90000047  }
0xc6: {  	s0 =	stileid.u32;
	[bflag:$0x2] =	sbarrier.arrive $0xFFFF  }
0xc7: {  	p0 =	sne.s32 s0, $0x0;
	s0 =	rddreg [dreg:$0x5]  }
0xc8: {  	s0 =	sadd.s32 @!p0 $0x100000, s0  }
0xc9: {  	[sflag:s0] =	ssyncadd.tile.s32 @!p0 $0x1;
	_ =	shalt  }
.Lfunc_end2:
_tile_overlayer_lowered:
.L_overlay_start_2:
0xca: {  	(tag) =	ssettag $0x2  }
0xcb: {  	s0 =	rddreg [dreg:$0x0];
	s2 =	stileid.u32  }
0xcc: {  	s1 =	rddreg [dreg:$0x1];
	p0 =	sne.s32 s2, $0x0  }
0xcd: {  	s3 =	rddreg [dreg:$0x2];
	[bflag:$0x3] =	sbarrier.arrive $0xFFFF;
	s2 =	simm.s32 @!p0 $0x1C04  }
0xce: {  	[timem:s3], [sflag:s2] =	dma.local @!p0 [hbm:s0], s1  }
0xcf: {  	s0 =	simm.s32 @!p0 $0x4  }
0xd0: {  	_ =	swait.ge @!p0 [sflag:s0], s1  }
0xd1: {  	s1 =	ssub.s32 @!p0 $0x0, s1;
	[sflag:s0] =	ssyncset.done @!p0 $0x0  }
0xd2: {  	[sflag:s0] =	ssyncadd.s32 @!p0 s1  }
0xd3: {  	[bflag:$0x3] =	sbarrier.arrive $0xFFFF  }
0xd4: {  	_ =	shalt  }

</sc_bundles>
